<compile_context>
chip_gen: v7x
topology: tpu7x:2x2x1
jax: 0.10.2.dev20260603
libtpu: 0.0.44.dev20260713+nightly
codegen_flags: <defaults>
</compile_context>

<pallas_src>
import functools
import math

import jax
import jax.numpy as jnp
from jax import lax
from jax.experimental import pallas as pl
from jax.experimental.pallas import tpu as pltpu
from jax.experimental.pallas import tpu_sc as plsc

_THR = math.log(0.5)
_L = 16
_CHUNK = 128


def _sc_body(t, v, ctc_f, alpha_f, mask_f, out_hbm,
             idx_v, data_v, alpha_v, mask_v, stage_v, all_v, shared, sem):
    c = lax.axis_index("c")
    s = lax.axis_index("s")

    @pl.when(c == 0)
    def _work():
        lane = lax.iota(jnp.int32, _L)
        base = s * t

        def build(i, _):
            r = base + i * _L + lane
            idx_v[pl.ds(i * _L, _L)] = (
                (r >> 3) * (8 * v) + (r & 7) * 128)
            return 0

        lax.fori_loop(0, t // _L, build, 0)

        copies = [
            pltpu.async_copy(
                ctc_f.at[idx_v.at[pl.ds(k * _CHUNK, _CHUNK)]],
                data_v.at[pl.ds(k * _CHUNK, _CHUNK)],
                sem,
            )
            for k in range(t // _CHUNK)
        ]
        pltpu.sync_copy(alpha_f.at[pl.ds(base, t)], alpha_v)
        pltpu.sync_copy(mask_f.at[pl.ds(base, t)], mask_v)
        for cp in copies:
            cp.wait()

        def comp(m, carry):
            s_acc, c_acc = carry
            a = alpha_v[pl.ds(m * _L, _L)]
            mk = mask_v[pl.ds(m * _L, _L)]
            blank = data_v[pl.ds(m * _L, _L)]
            trig = ((1.0 - blank) > _THR) & (mk != 0.0)
            return (s_acc + a, c_acc + jnp.where(trig, 1.0, 0.0))

        init = (jnp.full((_L,), 0.0, jnp.float32),
                jnp.full((_L,), 0.0, jnp.float32))
        s_acc, c_acc = lax.fori_loop(0, t // _L, comp, init)

        row_sum = jnp.sum(s_acc)
        cnt = jnp.sum(c_acc)
        term = jnp.abs(row_sum - 1.0) * cnt
        inc = jnp.where(cnt > 0.5, 1.0, 0.0)
        stage_v[...] = (jnp.where(lane == 0, term, 0.0)
                        + jnp.where(lane == 1, inc, 0.0))
        pltpu.sync_copy(stage_v, shared.at[pl.ds(s * _L, _L)])

    plsc.subcore_barrier()

    @pl.when(jnp.logical_and(c == 0, s == 0))
    def _combine():
        pltpu.sync_copy(shared, all_v)
        lane = lax.iota(jnp.int32, _L)
        acc = jnp.full((_L,), 0.0, jnp.float32)
        for r in range(_L):
            acc = acc + all_v[pl.ds(r * _L, _L)]
        num = jnp.sum(jnp.where(lane == 0, acc, 0.0))
        den = jnp.sum(jnp.where(lane == 1, acc, 0.0))
        num_v = jnp.full((_L,), 0.0, jnp.float32) + num
        den_v = jnp.full((_L,), 0.0, jnp.float32) + den
        stage_v[...] = jnp.where(den_v > 0.0, num_v / den_v, 0.0)
        pltpu.sync_copy(stage_v, out_hbm)


def kernel(alpha, ctc_log_probs, mask):
    b, t = alpha.shape
    v = ctc_log_probs.shape[-1]
    rows = b * t
    ctc_f = (ctc_log_probs.reshape(rows // 8, 8, v // 128, 128)
             .transpose(0, 2, 1, 3).reshape(-1))
    alpha_f = alpha.reshape(-1)
    mask_f = mask.reshape(-1)

    mesh = plsc.VectorSubcoreMesh(core_axis_name="c", subcore_axis_name="s", num_cores=1)
    run = pl.kernel(
        functools.partial(_sc_body, t, v),
        mesh=mesh,
        compiler_params=pltpu.CompilerParams(needs_layout_passes=False),
        out_type=jax.ShapeDtypeStruct((_L,), jnp.float32),
        scratch_types=[
            pltpu.VMEM((t,), jnp.int32),
            pltpu.VMEM((t,), jnp.float32),
            pltpu.VMEM((t,), jnp.float32),
            pltpu.VMEM((t,), jnp.float32),
            pltpu.VMEM((_L,), jnp.float32),
            pltpu.VMEM((_L * _L,), jnp.float32),
            pltpu.VMEM_SHARED((_L * _L,), jnp.float32),
            pltpu.SemaphoreType.DMA,
        ],
    )
    out = run(ctc_f, alpha_f, mask_f)
    return out[0]

# --- scband reference (transcript-rebuilt; emitter-appended) ---
"""Pipeline reference for scband-ctc-boundary-loss-43619687859158 (READ-ONLY COPY).

The authoritative reference and input builder live on the scoring server;
editing this copy changes nothing except your own understanding.
"""

import jax, jax.numpy as jnp
import numpy as np
import math

SPIKE_THRESHOLD = math.log(0.5)
BLANK = 0


def setup_inputs(seed: int = 0):
    key = jax.random.key(seed)
    k1, k2 = jax.random.split(key)
    alpha = jax.random.uniform(k1, (16, 2048), dtype=jnp.float32)
    ctc_log_probs = jax.random.normal(k2, (16, 2048, 1024), dtype=jnp.float32)
    mask = jnp.ones((16, 2048), dtype=jnp.float32)
    return {"alpha": alpha, "ctc_log_probs": ctc_log_probs, "mask": mask}


def reference(alpha, ctc_log_probs, mask):
    B, T = alpha.shape
    ctc_blank_probs = ctc_log_probs[:, :, BLANK]
    triggered = (1.0 - ctc_blank_probs) > SPIKE_THRESHOLD
    spikes = triggered.astype(mask.dtype) * mask
    begin = jnp.ones((B, 1), dtype=spikes.dtype)
    spikes = jnp.concatenate([begin, spikes], axis=1)
    index = jnp.arange(T)[None, :]
    T1 = spikes.shape[1]
    idx1 = jnp.arange(T1)
    sentinel = T1
    boundary_loss_terms = []
    included_flags = []
    for i in range(B):
        pos_i = jnp.where(spikes[i] != 0, idx1, sentinel)
        pos_sorted = jnp.sort(pos_i)
        start = pos_sorted[:-1].astype(jnp.int64)
        end = pos_sorted[1:].astype(jnp.int64)
        valid = end < sentinel
        m = index >= start[:, None]
        # faithful to torch: bool tensor compared (<=) against int64 end values
        m = m.astype(end.dtype) <= end[:, None]
        loss_i_j = alpha[i:i + 1, :] * m
        loss_i_j = jnp.sum(loss_i_j, axis=1)
        term_i = jnp.sum(jnp.abs(loss_i_j - 1.0) * valid.astype(alpha.dtype))
        boundary_loss_terms.append(term_i)
        included_flags.append(jnp.any(valid))
    loss = jnp.stack(boundary_loss_terms, axis=0)
    included = jnp.stack(included_flags, axis=0)
    denom = jnp.sum(included)
    total = jnp.sum(loss)
    return jnp.where(denom > 0, total / denom,
                     jnp.asarray(0.0, dtype=jnp.float32))

if __name__ == "__main__":
    import jax
    _d = setup_inputs()
    print(jax.jit(kernel)(*tuple(_d.values())))

</pallas_src>

<mosaic_0001>
#map = affine_map<(d0, d1) -> (0)>
module attributes {stable_mosaic.version = 14 : i64} {
  func.func @_sc_body(%arg0: i32, %arg1: i32, %arg2: memref<33554432xf32, #tpu.memory_space<hbm>>, %arg3: memref<32768xf32, #tpu.memory_space<hbm>>, %arg4: memref<32768xf32, #tpu.memory_space<hbm>>, %arg5: memref<16xf32, #tpu.memory_space<hbm>>, %arg6: memref<2048xi32, #tpu.memory_space<vmem>>, %arg7: memref<2048xf32, #tpu.memory_space<vmem>>, %arg8: memref<2048xf32, #tpu.memory_space<vmem>>, %arg9: memref<2048xf32, #tpu.memory_space<vmem>>, %arg10: memref<16xf32, #tpu.memory_space<vmem>>, %arg11: memref<256xf32, #tpu.memory_space<vmem>>, %arg12: memref<256xf32, #tpu.memory_space<vmem_shared>>, %arg13: memref<!tpu.dma_semaphore, #tpu.memory_space<semaphore_mem>>) attributes {dimension_semantics = [#tpu.dimension_semantics<core_parallel>, #tpu.dimension_semantics<subcore_parallel>], iteration_bounds = array<i64: 1, 16>, scalar_prefetch = 0 : i64, scratch_operands = 8 : i64, tpu.core_type = #tpu.core_type<sc_vector_subcore>, window_params = [{transform_indices = #map}, {transform_indices = #map}, {transform_indices = #map}, {transform_indices = #map}]} {
    %eq3A = arith.constant 0 : i32
    %eq3A_0 = arith.cmpi eq, %arg0, %eq3A : i32
    %convert_element_type3A = arith.extui %eq3A_0 : i1 to i32
    %cond3A = arith.constant 0 : i32
    %cond3A_1 = arith.cmpi ne, %convert_element_type3A, %cond3A : i32
    scf.if %cond3A_1 {
      %iota3A = tpu.iota {dimensions = array<i32: 0>} : vector<16xi32>
      %mul3A = arith.constant 2048 : i32
      %mul3A_9 = arith.muli %arg1, %mul3A : i32
      %scan3A = arith.constant 0 : i32
      %scan3A_10 = arith.constant 0 : i32
      %scan3A_11 = arith.constant 128 : i32
      %scan3A_12 = arith.addi %scan3A_10, %scan3A_11 : i32
      %scan3A_13 = arith.constant 1 : i32
      %scan3A_14 = scf.for %scan3A_243 = %scan3A_10 to %scan3A_12 step %scan3A_13 iter_args(%scan3A_244 = %scan3A) -> (i32)  : i32 {
        %mul3A_245 = arith.constant 16 : i32
        %mul3A_246 = arith.muli %scan3A_243, %mul3A_245 : i32
        %add3A_247 = arith.addi %mul3A_9, %mul3A_246 : i32
        %add3A_248 = vector.broadcast %add3A_247 : i32 to vector<16xi32>
        %add3A_249 = arith.addi %add3A_248, %iota3A : vector<16xi32>
        %shift_right_arithmetic3A = arith.constant 3 : i32
        %shift_right_arithmetic3A_250 = vector.broadcast %shift_right_arithmetic3A : i32 to vector<16xi32>
        %shift_right_arithmetic3A_251 = arith.shrsi %add3A_249, %shift_right_arithmetic3A_250 : vector<16xi32>
        %mul3A_252 = arith.constant 8192 : i32
        %mul3A_253 = vector.broadcast %mul3A_252 : i32 to vector<16xi32>
        %mul3A_254 = arith.muli %shift_right_arithmetic3A_251, %mul3A_253 : vector<16xi32>
        %and3A_255 = arith.constant 7 : i32
        %and3A_256 = vector.broadcast %and3A_255 : i32 to vector<16xi32>
        %and3A_257 = arith.andi %add3A_249, %and3A_256 : vector<16xi32>
        %mul3A_258 = arith.constant 128 : i32
        %mul3A_259 = vector.broadcast %mul3A_258 : i32 to vector<16xi32>
        %mul3A_260 = arith.muli %and3A_257, %mul3A_259 : vector<16xi32>
        %add3A_261 = arith.addi %mul3A_254, %mul3A_260 : vector<16xi32>
        %mul3A_262 = arith.constant 16 : i32
        %mul3A_263 = arith.muli %scan3A_243, %mul3A_262 : i32
        %swap3A_264 = arith.index_cast %mul3A_263 : i32 to index
        %swap3A_265 = tpu.vector_load %arg6[%swap3A_264] {strides = array<i32>} : memref<2048xi32, #tpu.memory_space<vmem>>, vector<16xi32>,
        tpu.vector_store %arg6[%swap3A_264], %add3A_261 {strides = array<i32>} : memref<2048xi32, #tpu.memory_space<vmem>>, vector<16xi32>,
        %scan3A_266 = arith.constant 0 : i32
        scf.yield %scan3A_266 : i32
      }
      %scan3A_15 = arith.constant 128 : i32
      %dma_start3A = arith.constant 0 : i32
      %dma_start3A_16 = tpu.memref_slice %arg7[%dma_start3A] : memref<2048xf32, #tpu.memory_space<vmem>> -> memref<128xf32, #tpu.memory_space<vmem>>
      %dma_start3A_17 = arith.constant 0 : i32
      %dma_start3A_18 = tpu.memref_slice %arg6[%dma_start3A_17] : memref<2048xi32, #tpu.memory_space<vmem>> -> memref<128xi32, #tpu.memory_space<vmem>>
      %dma_start3A_19 = arith.constant 0 : i32
      %dma_start3A_20 = tpu.memref_slice %arg2[%dma_start3A_19] : memref<33554432xf32, #tpu.memory_space<hbm>> -> memref<33554432xf32, #tpu.memory_space<hbm>>
      tpu.enqueue_indirect_dma source(%dma_start3A_20 : memref<33554432xf32, #tpu.memory_space<hbm>>) target(%dma_start3A_16 : memref<128xf32, #tpu.memory_space<vmem>>) offsets(%dma_start3A_18 : memref<128xi32, #tpu.memory_space<vmem>>) semaphore(%arg13 : memref<!tpu.dma_semaphore, #tpu.memory_space<semaphore_mem>>)
      %dma_start3A_21 = arith.constant 128 : i32
      %dma_start3A_22 = tpu.memref_slice %arg7[%dma_start3A_21] : memref<2048xf32, #tpu.memory_space<vmem>> -> memref<128xf32, #tpu.memory_space<vmem>>
      %dma_start3A_23 = arith.constant 128 : i32
      %dma_start3A_24 = tpu.memref_slice %arg6[%dma_start3A_23] : memref<2048xi32, #tpu.memory_space<vmem>> -> memref<128xi32, #tpu.memory_space<vmem>>
      %dma_start3A_25 = arith.constant 0 : i32
      %dma_start3A_26 = tpu.memref_slice %arg2[%dma_start3A_25] : memref<33554432xf32, #tpu.memory_space<hbm>> -> memref<33554432xf32, #tpu.memory_space<hbm>>
      tpu.enqueue_indirect_dma source(%dma_start3A_26 : memref<33554432xf32, #tpu.memory_space<hbm>>) target(%dma_start3A_22 : memref<128xf32, #tpu.memory_space<vmem>>) offsets(%dma_start3A_24 : memref<128xi32, #tpu.memory_space<vmem>>) semaphore(%arg13 : memref<!tpu.dma_semaphore, #tpu.memory_space<semaphore_mem>>)
      %dma_start3A_27 = arith.constant 256 : i32
      %dma_start3A_28 = tpu.memref_slice %arg7[%dma_start3A_27] : memref<2048xf32, #tpu.memory_space<vmem>> -> memref<128xf32, #tpu.memory_space<vmem>>
      %dma_start3A_29 = arith.constant 256 : i32
      %dma_start3A_30 = tpu.memref_slice %arg6[%dma_start3A_29] : memref<2048xi32, #tpu.memory_space<vmem>> -> memref<128xi32, #tpu.memory_space<vmem>>
      %dma_start3A_31 = arith.constant 0 : i32
      %dma_start3A_32 = tpu.memref_slice %arg2[%dma_start3A_31] : memref<33554432xf32, #tpu.memory_space<hbm>> -> memref<33554432xf32, #tpu.memory_space<hbm>>
      tpu.enqueue_indirect_dma source(%dma_start3A_32 : memref<33554432xf32, #tpu.memory_space<hbm>>) target(%dma_start3A_28 : memref<128xf32, #tpu.memory_space<vmem>>) offsets(%dma_start3A_30 : memref<128xi32, #tpu.memory_space<vmem>>) semaphore(%arg13 : memref<!tpu.dma_semaphore, #tpu.memory_space<semaphore_mem>>)
      %dma_start3A_33 = arith.constant 384 : i32
      %dma_start3A_34 = tpu.memref_slice %arg7[%dma_start3A_33] : memref<2048xf32, #tpu.memory_space<vmem>> -> memref<128xf32, #tpu.memory_space<vmem>>
      %dma_start3A_35 = arith.constant 384 : i32
      %dma_start3A_36 = tpu.memref_slice %arg6[%dma_start3A_35] : memref<2048xi32, #tpu.memory_space<vmem>> -> memref<128xi32, #tpu.memory_space<vmem>>
      %dma_start3A_37 = arith.constant 0 : i32
      %dma_start3A_38 = tpu.memref_slice %arg2[%dma_start3A_37] : memref<33554432xf32, #tpu.memory_space<hbm>> -> memref<33554432xf32, #tpu.memory_space<hbm>>
      tpu.enqueue_indirect_dma source(%dma_start3A_38 : memref<33554432xf32, #tpu.memory_space<hbm>>) target(%dma_start3A_34 : memref<128xf32, #tpu.memory_space<vmem>>) offsets(%dma_start3A_36 : memref<128xi32, #tpu.memory_space<vmem>>) semaphore(%arg13 : memref<!tpu.dma_semaphore, #tpu.memory_space<semaphore_mem>>)
      %dma_start3A_39 = arith.constant 512 : i32
      %dma_start3A_40 = tpu.memref_slice %arg7[%dma_start3A_39] : memref<2048xf32, #tpu.memory_space<vmem>> -> memref<128xf32, #tpu.memory_space<vmem>>
      %dma_start3A_41 = arith.constant 512 : i32
      %dma_start3A_42 = tpu.memref_slice %arg6[%dma_start3A_41] : memref<2048xi32, #tpu.memory_space<vmem>> -> memref<128xi32, #tpu.memory_space<vmem>>
      %dma_start3A_43 = arith.constant 0 : i32
      %dma_start3A_44 = tpu.memref_slice %arg2[%dma_start3A_43] : memref<33554432xf32, #tpu.memory_space<hbm>> -> memref<33554432xf32, #tpu.memory_space<hbm>>
      tpu.enqueue_indirect_dma source(%dma_start3A_44 : memref<33554432xf32, #tpu.memory_space<hbm>>) target(%dma_start3A_40 : memref<128xf32, #tpu.memory_space<vmem>>) offsets(%dma_start3A_42 : memref<128xi32, #tpu.memory_space<vmem>>) semaphore(%arg13 : memref<!tpu.dma_semaphore, #tpu.memory_space<semaphore_mem>>)
      %dma_start3A_45 = arith.constant 640 : i32
      %dma_start3A_46 = tpu.memref_slice %arg7[%dma_start3A_45] : memref<2048xf32, #tpu.memory_space<vmem>> -> memref<128xf32, #tpu.memory_space<vmem>>
      %dma_start3A_47 = arith.constant 640 : i32
      %dma_start3A_48 = tpu.memref_slice %arg6[%dma_start3A_47] : memref<2048xi32, #tpu.memory_space<vmem>> -> memref<128xi32, #tpu.memory_space<vmem>>
      %dma_start3A_49 = arith.constant 0 : i32
      %dma_start3A_50 = tpu.memref_slice %arg2[%dma_start3A_49] : memref<33554432xf32, #tpu.memory_space<hbm>> -> memref<33554432xf32, #tpu.memory_space<hbm>>
      tpu.enqueue_indirect_dma source(%dma_start3A_50 : memref<33554432xf32, #tpu.memory_space<hbm>>) target(%dma_start3A_46 : memref<128xf32, #tpu.memory_space<vmem>>) offsets(%dma_start3A_48 : memref<128xi32, #tpu.memory_space<vmem>>) semaphore(%arg13 : memref<!tpu.dma_semaphore, #tpu.memory_space<semaphore_mem>>)
      %dma_start3A_51 = arith.constant 768 : i32
      %dma_start3A_52 = tpu.memref_slice %arg7[%dma_start3A_51] : memref<2048xf32, #tpu.memory_space<vmem>> -> memref<128xf32, #tpu.memory_space<vmem>>
      %dma_start3A_53 = arith.constant 768 : i32
      %dma_start3A_54 = tpu.memref_slice %arg6[%dma_start3A_53] : memref<2048xi32, #tpu.memory_space<vmem>> -> memref<128xi32, #tpu.memory_space<vmem>>
      %dma_start3A_55 = arith.constant 0 : i32
      %dma_start3A_56 = tpu.memref_slice %arg2[%dma_start3A_55] : memref<33554432xf32, #tpu.memory_space<hbm>> -> memref<33554432xf32, #tpu.memory_space<hbm>>
      tpu.enqueue_indirect_dma source(%dma_start3A_56 : memref<33554432xf32, #tpu.memory_space<hbm>>) target(%dma_start3A_52 : memref<128xf32, #tpu.memory_space<vmem>>) offsets(%dma_start3A_54 : memref<128xi32, #tpu.memory_space<vmem>>) semaphore(%arg13 : memref<!tpu.dma_semaphore, #tpu.memory_space<semaphore_mem>>)
      %dma_start3A_57 = arith.constant 896 : i32
      %dma_start3A_58 = tpu.memref_slice %arg7[%dma_start3A_57] : memref<2048xf32, #tpu.memory_space<vmem>> -> memref<128xf32, #tpu.memory_space<vmem>>
      %dma_start3A_59 = arith.constant 896 : i32
      %dma_start3A_60 = tpu.memref_slice %arg6[%dma_start3A_59] : memref<2048xi32, #tpu.memory_space<vmem>> -> memref<128xi32, #tpu.memory_space<vmem>>
      %dma_start3A_61 = arith.constant 0 : i32
      %dma_start3A_62 = tpu.memref_slice %arg2[%dma_start3A_61] : memref<33554432xf32, #tpu.memory_space<hbm>> -> memref<33554432xf32, #tpu.memory_space<hbm>>
      tpu.enqueue_indirect_dma source(%dma_start3A_62 : memref<33554432xf32, #tpu.memory_space<hbm>>) target(%dma_start3A_58 : memref<128xf32, #tpu.memory_space<vmem>>) offsets(%dma_start3A_60 : memref<128xi32, #tpu.memory_space<vmem>>) semaphore(%arg13 : memref<!tpu.dma_semaphore, #tpu.memory_space<semaphore_mem>>)
      %dma_start3A_63 = arith.constant 1024 : i32
      %dma_start3A_64 = tpu.memref_slice %arg7[%dma_start3A_63] : memref<2048xf32, #tpu.memory_space<vmem>> -> memref<128xf32, #tpu.memory_space<vmem>>
      %dma_start3A_65 = arith.constant 1024 : i32
      %dma_start3A_66 = tpu.memref_slice %arg6[%dma_start3A_65] : memref<2048xi32, #tpu.memory_space<vmem>> -> memref<128xi32, #tpu.memory_space<vmem>>
      %dma_start3A_67 = arith.constant 0 : i32
      %dma_start3A_68 = tpu.memref_slice %arg2[%dma_start3A_67] : memref<33554432xf32, #tpu.memory_space<hbm>> -> memref<33554432xf32, #tpu.memory_space<hbm>>
      tpu.enqueue_indirect_dma source(%dma_start3A_68 : memref<33554432xf32, #tpu.memory_space<hbm>>) target(%dma_start3A_64 : memref<128xf32, #tpu.memory_space<vmem>>) offsets(%dma_start3A_66 : memref<128xi32, #tpu.memory_space<vmem>>) semaphore(%arg13 : memref<!tpu.dma_semaphore, #tpu.memory_space<semaphore_mem>>)
      %dma_start3A_69 = arith.constant 1152 : i32
      %dma_start3A_70 = tpu.memref_slice %arg7[%dma_start3A_69] : memref<2048xf32, #tpu.memory_space<vmem>> -> memref<128xf32, #tpu.memory_space<vmem>>
      %dma_start3A_71 = arith.constant 1152 : i32
      %dma_start3A_72 = tpu.memref_slice %arg6[%dma_start3A_71] : memref<2048xi32, #tpu.memory_space<vmem>> -> memref<128xi32, #tpu.memory_space<vmem>>
      %dma_start3A_73 = arith.constant 0 : i32
      %dma_start3A_74 = tpu.memref_slice %arg2[%dma_start3A_73] : memref<33554432xf32, #tpu.memory_space<hbm>> -> memref<33554432xf32, #tpu.memory_space<hbm>>
      tpu.enqueue_indirect_dma source(%dma_start3A_74 : memref<33554432xf32, #tpu.memory_space<hbm>>) target(%dma_start3A_70 : memref<128xf32, #tpu.memory_space<vmem>>) offsets(%dma_start3A_72 : memref<128xi32, #tpu.memory_space<vmem>>) semaphore(%arg13 : memref<!tpu.dma_semaphore, #tpu.memory_space<semaphore_mem>>)
      %dma_start3A_75 = arith.constant 1280 : i32
      %dma_start3A_76 = tpu.memref_slice %arg7[%dma_start3A_75] : memref<2048xf32, #tpu.memory_space<vmem>> -> memref<128xf32, #tpu.memory_space<vmem>>
      %dma_start3A_77 = arith.constant 1280 : i32
      %dma_start3A_78 = tpu.memref_slice %arg6[%dma_start3A_77] : memref<2048xi32, #tpu.memory_space<vmem>> -> memref<128xi32, #tpu.memory_space<vmem>>
      %dma_start3A_79 = arith.constant 0 : i32
      %dma_start3A_80 = tpu.memref_slice %arg2[%dma_start3A_79] : memref<33554432xf32, #tpu.memory_space<hbm>> -> memref<33554432xf32, #tpu.memory_space<hbm>>
      tpu.enqueue_indirect_dma source(%dma_start3A_80 : memref<33554432xf32, #tpu.memory_space<hbm>>) target(%dma_start3A_76 : memref<128xf32, #tpu.memory_space<vmem>>) offsets(%dma_start3A_78 : memref<128xi32, #tpu.memory_space<vmem>>) semaphore(%arg13 : memref<!tpu.dma_semaphore, #tpu.memory_space<semaphore_mem>>)
      %dma_start3A_81 = arith.constant 1408 : i32
      %dma_start3A_82 = tpu.memref_slice %arg7[%dma_start3A_81] : memref<2048xf32, #tpu.memory_space<vmem>> -> memref<128xf32, #tpu.memory_space<vmem>>
      %dma_start3A_83 = arith.constant 1408 : i32
      %dma_start3A_84 = tpu.memref_slice %arg6[%dma_start3A_83] : memref<2048xi32, #tpu.memory_space<vmem>> -> memref<128xi32, #tpu.memory_space<vmem>>
      %dma_start3A_85 = arith.constant 0 : i32
      %dma_start3A_86 = tpu.memref_slice %arg2[%dma_start3A_85] : memref<33554432xf32, #tpu.memory_space<hbm>> -> memref<33554432xf32, #tpu.memory_space<hbm>>
      tpu.enqueue_indirect_dma source(%dma_start3A_86 : memref<33554432xf32, #tpu.memory_space<hbm>>) target(%dma_start3A_82 : memref<128xf32, #tpu.memory_space<vmem>>) offsets(%dma_start3A_84 : memref<128xi32, #tpu.memory_space<vmem>>) semaphore(%arg13 : memref<!tpu.dma_semaphore, #tpu.memory_space<semaphore_mem>>)
      %dma_start3A_87 = arith.constant 1536 : i32
      %dma_start3A_88 = tpu.memref_slice %arg7[%dma_start3A_87] : memref<2048xf32, #tpu.memory_space<vmem>> -> memref<128xf32, #tpu.memory_space<vmem>>
      %dma_start3A_89 = arith.constant 1536 : i32
      %dma_start3A_90 = tpu.memref_slice %arg6[%dma_start3A_89] : memref<2048xi32, #tpu.memory_space<vmem>> -> memref<128xi32, #tpu.memory_space<vmem>>
      %dma_start3A_91 = arith.constant 0 : i32
      %dma_start3A_92 = tpu.memref_slice %arg2[%dma_start3A_91] : memref<33554432xf32, #tpu.memory_space<hbm>> -> memref<33554432xf32, #tpu.memory_space<hbm>>
      tpu.enqueue_indirect_dma source(%dma_start3A_92 : memref<33554432xf32, #tpu.memory_space<hbm>>) target(%dma_start3A_88 : memref<128xf32, #tpu.memory_space<vmem>>) offsets(%dma_start3A_90 : memref<128xi32, #tpu.memory_space<vmem>>) semaphore(%arg13 : memref<!tpu.dma_semaphore, #tpu.memory_space<semaphore_mem>>)
      %dma_start3A_93 = arith.constant 1664 : i32
      %dma_start3A_94 = tpu.memref_slice %arg7[%dma_start3A_93] : memref<2048xf32, #tpu.memory_space<vmem>> -> memref<128xf32, #tpu.memory_space<vmem>>
      %dma_start3A_95 = arith.constant 1664 : i32
      %dma_start3A_96 = tpu.memref_slice %arg6[%dma_start3A_95] : memref<2048xi32, #tpu.memory_space<vmem>> -> memref<128xi32, #tpu.memory_space<vmem>>
      %dma_start3A_97 = arith.constant 0 : i32
      %dma_start3A_98 = tpu.memref_slice %arg2[%dma_start3A_97] : memref<33554432xf32, #tpu.memory_space<hbm>> -> memref<33554432xf32, #tpu.memory_space<hbm>>
      tpu.enqueue_indirect_dma source(%dma_start3A_98 : memref<33554432xf32, #tpu.memory_space<hbm>>) target(%dma_start3A_94 : memref<128xf32, #tpu.memory_space<vmem>>) offsets(%dma_start3A_96 : memref<128xi32, #tpu.memory_space<vmem>>) semaphore(%arg13 : memref<!tpu.dma_semaphore, #tpu.memory_space<semaphore_mem>>)
      %dma_start3A_99 = arith.constant 1792 : i32
      %dma_start3A_100 = tpu.memref_slice %arg7[%dma_start3A_99] : memref<2048xf32, #tpu.memory_space<vmem>> -> memref<128xf32, #tpu.memory_space<vmem>>
      %dma_start3A_101 = arith.constant 1792 : i32
      %dma_start3A_102 = tpu.memref_slice %arg6[%dma_start3A_101] : memref<2048xi32, #tpu.memory_space<vmem>> -> memref<128xi32, #tpu.memory_space<vmem>>
      %dma_start3A_103 = arith.constant 0 : i32
      %dma_start3A_104 = tpu.memref_slice %arg2[%dma_start3A_103] : memref<33554432xf32, #tpu.memory_space<hbm>> -> memref<33554432xf32, #tpu.memory_space<hbm>>
      tpu.enqueue_indirect_dma source(%dma_start3A_104 : memref<33554432xf32, #tpu.memory_space<hbm>>) target(%dma_start3A_100 : memref<128xf32, #tpu.memory_space<vmem>>) offsets(%dma_start3A_102 : memref<128xi32, #tpu.memory_space<vmem>>) semaphore(%arg13 : memref<!tpu.dma_semaphore, #tpu.memory_space<semaphore_mem>>)
      %dma_start3A_105 = arith.constant 1920 : i32
      %dma_start3A_106 = tpu.memref_slice %arg7[%dma_start3A_105] : memref<2048xf32, #tpu.memory_space<vmem>> -> memref<128xf32, #tpu.memory_space<vmem>>
      %dma_start3A_107 = arith.constant 1920 : i32
      %dma_start3A_108 = tpu.memref_slice %arg6[%dma_start3A_107] : memref<2048xi32, #tpu.memory_space<vmem>> -> memref<128xi32, #tpu.memory_space<vmem>>
      %dma_start3A_109 = arith.constant 0 : i32
      %dma_start3A_110 = tpu.memref_slice %arg2[%dma_start3A_109] : memref<33554432xf32, #tpu.memory_space<hbm>> -> memref<33554432xf32, #tpu.memory_space<hbm>>
      tpu.enqueue_indirect_dma source(%dma_start3A_110 : memref<33554432xf32, #tpu.memory_space<hbm>>) target(%dma_start3A_106 : memref<128xf32, #tpu.memory_space<vmem>>) offsets(%dma_start3A_108 : memref<128xi32, #tpu.memory_space<vmem>>) semaphore(%arg13 : memref<!tpu.dma_semaphore, #tpu.memory_space<semaphore_mem>>)
      "tpu.region"() ({
        %run_scoped3A = tpu.sem_alloc : memref<!tpu.dma_semaphore, #tpu.memory_space<semaphore_mem>>
        %dma_start3A_243 = tpu.memref_slice %arg3[%mul3A_9] : memref<32768xf32, #tpu.memory_space<hbm>> -> memref<2048xf32, #tpu.memory_space<hbm>>
        %dma_start3A_244 = tpu.memref_slice %arg3[%mul3A_9] : memref<32768xf32, #tpu.memory_space<hbm>> -> memref<2048xf32, #tpu.memory_space<hbm>>
        tpu.enqueue_dma source(%dma_start3A_244 : memref<2048xf32, #tpu.memory_space<hbm>>) target(%arg8 : memref<2048xf32, #tpu.memory_space<vmem>>) target_semaphore(%run_scoped3A : memref<!tpu.dma_semaphore, #tpu.memory_space<semaphore_mem>>)
        %dma_wait3A_245 = tpu.memref_slice %arg3[%mul3A_9] : memref<32768xf32, #tpu.memory_space<hbm>> -> memref<2048xf32, #tpu.memory_space<hbm>>
        %dma_wait3A_246 = tpu.memref_slice %arg3[%mul3A_9] : memref<32768xf32, #tpu.memory_space<hbm>> -> memref<2048xf32, #tpu.memory_space<hbm>>
        tpu.wait_dma2 semaphore(%run_scoped3A : memref<!tpu.dma_semaphore, #tpu.memory_space<semaphore_mem>>) src(%dma_wait3A_246 : memref<2048xf32, #tpu.memory_space<hbm>>) dst(%arg8 : memref<2048xf32, #tpu.memory_space<vmem>>)
        tpu.yield
      }) : () -> ()
      "tpu.region"() ({
        %run_scoped3A = tpu.sem_alloc : memref<!tpu.dma_semaphore, #tpu.memory_space<semaphore_mem>>
        %dma_start3A_243 = tpu.memref_slice %arg4[%mul3A_9] : memref<32768xf32, #tpu.memory_space<hbm>> -> memref<2048xf32, #tpu.memory_space<hbm>>
        %dma_start3A_244 = tpu.memref_slice %arg4[%mul3A_9] : memref<32768xf32, #tpu.memory_space<hbm>> -> memref<2048xf32, #tpu.memory_space<hbm>>
        tpu.enqueue_dma source(%dma_start3A_244 : memref<2048xf32, #tpu.memory_space<hbm>>) target(%arg9 : memref<2048xf32, #tpu.memory_space<vmem>>) target_semaphore(%run_scoped3A : memref<!tpu.dma_semaphore, #tpu.memory_space<semaphore_mem>>)
        %dma_wait3A_245 = tpu.memref_slice %arg4[%mul3A_9] : memref<32768xf32, #tpu.memory_space<hbm>> -> memref<2048xf32, #tpu.memory_space<hbm>>
        %dma_wait3A_246 = tpu.memref_slice %arg4[%mul3A_9] : memref<32768xf32, #tpu.memory_space<hbm>> -> memref<2048xf32, #tpu.memory_space<hbm>>
        tpu.wait_dma2 semaphore(%run_scoped3A : memref<!tpu.dma_semaphore, #tpu.memory_space<semaphore_mem>>) src(%dma_wait3A_246 : memref<2048xf32, #tpu.memory_space<hbm>>) dst(%arg9 : memref<2048xf32, #tpu.memory_space<vmem>>)
        tpu.yield
      }) : () -> ()
      %dma_wait3A = arith.constant 0 : i32
      %dma_wait3A_111 = tpu.memref_slice %arg7[%dma_wait3A] : memref<2048xf32, #tpu.memory_space<vmem>> -> memref<128xf32, #tpu.memory_space<vmem>>
      %dma_wait3A_112 = arith.constant 0 : i32
      %dma_wait3A_113 = tpu.memref_slice %arg6[%dma_wait3A_112] : memref<2048xi32, #tpu.memory_space<vmem>> -> memref<128xi32, #tpu.memory_space<vmem>>
      %dma_wait3A_114 = arith.constant 0 : i32
      %dma_wait3A_115 = tpu.memref_slice %arg2[%dma_wait3A_114] : memref<33554432xf32, #tpu.memory_space<hbm>> -> memref<33554432xf32, #tpu.memory_space<hbm>>
      tpu.wait_indirect_dma semaphore(%arg13 : memref<!tpu.dma_semaphore, #tpu.memory_space<semaphore_mem>>) src(%dma_wait3A_115 : memref<33554432xf32, #tpu.memory_space<hbm>>) dst(%dma_wait3A_111 : memref<128xf32, #tpu.memory_space<vmem>>)
      %dma_wait3A_116 = arith.constant 128 : i32
      %dma_wait3A_117 = tpu.memref_slice %arg7[%dma_wait3A_116] : memref<2048xf32, #tpu.memory_space<vmem>> -> memref<128xf32, #tpu.memory_space<vmem>>
      %dma_wait3A_118 = arith.constant 128 : i32
      %dma_wait3A_119 = tpu.memref_slice %arg6[%dma_wait3A_118] : memref<2048xi32, #tpu.memory_space<vmem>> -> memref<128xi32, #tpu.memory_space<vmem>>
      %dma_wait3A_120 = arith.constant 0 : i32
      %dma_wait3A_121 = tpu.memref_slice %arg2[%dma_wait3A_120] : memref<33554432xf32, #tpu.memory_space<hbm>> -> memref<33554432xf32, #tpu.memory_space<hbm>>
      tpu.wait_indirect_dma semaphore(%arg13 : memref<!tpu.dma_semaphore, #tpu.memory_space<semaphore_mem>>) src(%dma_wait3A_121 : memref<33554432xf32, #tpu.memory_space<hbm>>) dst(%dma_wait3A_117 : memref<128xf32, #tpu.memory_space<vmem>>)
      %dma_wait3A_122 = arith.constant 256 : i32
      %dma_wait3A_123 = tpu.memref_slice %arg7[%dma_wait3A_122] : memref<2048xf32, #tpu.memory_space<vmem>> -> memref<128xf32, #tpu.memory_space<vmem>>
      %dma_wait3A_124 = arith.constant 256 : i32
      %dma_wait3A_125 = tpu.memref_slice %arg6[%dma_wait3A_124] : memref<2048xi32, #tpu.memory_space<vmem>> -> memref<128xi32, #tpu.memory_space<vmem>>
      %dma_wait3A_126 = arith.constant 0 : i32
      %dma_wait3A_127 = tpu.memref_slice %arg2[%dma_wait3A_126] : memref<33554432xf32, #tpu.memory_space<hbm>> -> memref<33554432xf32, #tpu.memory_space<hbm>>
      tpu.wait_indirect_dma semaphore(%arg13 : memref<!tpu.dma_semaphore, #tpu.memory_space<semaphore_mem>>) src(%dma_wait3A_127 : memref<33554432xf32, #tpu.memory_space<hbm>>) dst(%dma_wait3A_123 : memref<128xf32, #tpu.memory_space<vmem>>)
      %dma_wait3A_128 = arith.constant 384 : i32
      %dma_wait3A_129 = tpu.memref_slice %arg7[%dma_wait3A_128] : memref<2048xf32, #tpu.memory_space<vmem>> -> memref<128xf32, #tpu.memory_space<vmem>>
      %dma_wait3A_130 = arith.constant 384 : i32
      %dma_wait3A_131 = tpu.memref_slice %arg6[%dma_wait3A_130] : memref<2048xi32, #tpu.memory_space<vmem>> -> memref<128xi32, #tpu.memory_space<vmem>>
      %dma_wait3A_132 = arith.constant 0 : i32
      %dma_wait3A_133 = tpu.memref_slice %arg2[%dma_wait3A_132] : memref<33554432xf32, #tpu.memory_space<hbm>> -> memref<33554432xf32, #tpu.memory_space<hbm>>
      tpu.wait_indirect_dma semaphore(%arg13 : memref<!tpu.dma_semaphore, #tpu.memory_space<semaphore_mem>>) src(%dma_wait3A_133 : memref<33554432xf32, #tpu.memory_space<hbm>>) dst(%dma_wait3A_129 : memref<128xf32, #tpu.memory_space<vmem>>)
      %dma_wait3A_134 = arith.constant 512 : i32
      %dma_wait3A_135 = tpu.memref_slice %arg7[%dma_wait3A_134] : memref<2048xf32, #tpu.memory_space<vmem>> -> memref<128xf32, #tpu.memory_space<vmem>>
      %dma_wait3A_136 = arith.constant 512 : i32
      %dma_wait3A_137 = tpu.memref_slice %arg6[%dma_wait3A_136] : memref<2048xi32, #tpu.memory_space<vmem>> -> memref<128xi32, #tpu.memory_space<vmem>>
      %dma_wait3A_138 = arith.constant 0 : i32
      %dma_wait3A_139 = tpu.memref_slice %arg2[%dma_wait3A_138] : memref<33554432xf32, #tpu.memory_space<hbm>> -> memref<33554432xf32, #tpu.memory_space<hbm>>
      tpu.wait_indirect_dma semaphore(%arg13 : memref<!tpu.dma_semaphore, #tpu.memory_space<semaphore_mem>>) src(%dma_wait3A_139 : memref<33554432xf32, #tpu.memory_space<hbm>>) dst(%dma_wait3A_135 : memref<128xf32, #tpu.memory_space<vmem>>)
      %dma_wait3A_140 = arith.constant 640 : i32
      %dma_wait3A_141 = tpu.memref_slice %arg7[%dma_wait3A_140] : memref<2048xf32, #tpu.memory_space<vmem>> -> memref<128xf32, #tpu.memory_space<vmem>>
      %dma_wait3A_142 = arith.constant 640 : i32
      %dma_wait3A_143 = tpu.memref_slice %arg6[%dma_wait3A_142] : memref<2048xi32, #tpu.memory_space<vmem>> -> memref<128xi32, #tpu.memory_space<vmem>>
      %dma_wait3A_144 = arith.constant 0 : i32
      %dma_wait3A_145 = tpu.memref_slice %arg2[%dma_wait3A_144] : memref<33554432xf32, #tpu.memory_space<hbm>> -> memref<33554432xf32, #tpu.memory_space<hbm>>
      tpu.wait_indirect_dma semaphore(%arg13 : memref<!tpu.dma_semaphore, #tpu.memory_space<semaphore_mem>>) src(%dma_wait3A_145 : memref<33554432xf32, #tpu.memory_space<hbm>>) dst(%dma_wait3A_141 : memref<128xf32, #tpu.memory_space<vmem>>)
      %dma_wait3A_146 = arith.constant 768 : i32
      %dma_wait3A_147 = tpu.memref_slice %arg7[%dma_wait3A_146] : memref<2048xf32, #tpu.memory_space<vmem>> -> memref<128xf32, #tpu.memory_space<vmem>>
      %dma_wait3A_148 = arith.constant 768 : i32
      %dma_wait3A_149 = tpu.memref_slice %arg6[%dma_wait3A_148] : memref<2048xi32, #tpu.memory_space<vmem>> -> memref<128xi32, #tpu.memory_space<vmem>>
      %dma_wait3A_150 = arith.constant 0 : i32
      %dma_wait3A_151 = tpu.memref_slice %arg2[%dma_wait3A_150] : memref<33554432xf32, #tpu.memory_space<hbm>> -> memref<33554432xf32, #tpu.memory_space<hbm>>
      tpu.wait_indirect_dma semaphore(%arg13 : memref<!tpu.dma_semaphore, #tpu.memory_space<semaphore_mem>>) src(%dma_wait3A_151 : memref<33554432xf32, #tpu.memory_space<hbm>>) dst(%dma_wait3A_147 : memref<128xf32, #tpu.memory_space<vmem>>)
      %dma_wait3A_152 = arith.constant 896 : i32
      %dma_wait3A_153 = tpu.memref_slice %arg7[%dma_wait3A_152] : memref<2048xf32, #tpu.memory_space<vmem>> -> memref<128xf32, #tpu.memory_space<vmem>>
      %dma_wait3A_154 = arith.constant 896 : i32
      %dma_wait3A_155 = tpu.memref_slice %arg6[%dma_wait3A_154] : memref<2048xi32, #tpu.memory_space<vmem>> -> memref<128xi32, #tpu.memory_space<vmem>>
      %dma_wait3A_156 = arith.constant 0 : i32
      %dma_wait3A_157 = tpu.memref_slice %arg2[%dma_wait3A_156] : memref<33554432xf32, #tpu.memory_space<hbm>> -> memref<33554432xf32, #tpu.memory_space<hbm>>
      tpu.wait_indirect_dma semaphore(%arg13 : memref<!tpu.dma_semaphore, #tpu.memory_space<semaphore_mem>>) src(%dma_wait3A_157 : memref<33554432xf32, #tpu.memory_space<hbm>>) dst(%dma_wait3A_153 : memref<128xf32, #tpu.memory_space<vmem>>)
      %dma_wait3A_158 = arith.constant 1024 : i32
      %dma_wait3A_159 = tpu.memref_slice %arg7[%dma_wait3A_158] : memref<2048xf32, #tpu.memory_space<vmem>> -> memref<128xf32, #tpu.memory_space<vmem>>
      %dma_wait3A_160 = arith.constant 1024 : i32
      %dma_wait3A_161 = tpu.memref_slice %arg6[%dma_wait3A_160] : memref<2048xi32, #tpu.memory_space<vmem>> -> memref<128xi32, #tpu.memory_space<vmem>>
      %dma_wait3A_162 = arith.constant 0 : i32
      %dma_wait3A_163 = tpu.memref_slice %arg2[%dma_wait3A_162] : memref<33554432xf32, #tpu.memory_space<hbm>> -> memref<33554432xf32, #tpu.memory_space<hbm>>
      tpu.wait_indirect_dma semaphore(%arg13 : memref<!tpu.dma_semaphore, #tpu.memory_space<semaphore_mem>>) src(%dma_wait3A_163 : memref<33554432xf32, #tpu.memory_space<hbm>>) dst(%dma_wait3A_159 : memref<128xf32, #tpu.memory_space<vmem>>)
      %dma_wait3A_164 = arith.constant 1152 : i32
      %dma_wait3A_165 = tpu.memref_slice %arg7[%dma_wait3A_164] : memref<2048xf32, #tpu.memory_space<vmem>> -> memref<128xf32, #tpu.memory_space<vmem>>
      %dma_wait3A_166 = arith.constant 1152 : i32
      %dma_wait3A_167 = tpu.memref_slice %arg6[%dma_wait3A_166] : memref<2048xi32, #tpu.memory_space<vmem>> -> memref<128xi32, #tpu.memory_space<vmem>>
      %dma_wait3A_168 = arith.constant 0 : i32
      %dma_wait3A_169 = tpu.memref_slice %arg2[%dma_wait3A_168] : memref<33554432xf32, #tpu.memory_space<hbm>> -> memref<33554432xf32, #tpu.memory_space<hbm>>
      tpu.wait_indirect_dma semaphore(%arg13 : memref<!tpu.dma_semaphore, #tpu.memory_space<semaphore_mem>>) src(%dma_wait3A_169 : memref<33554432xf32, #tpu.memory_space<hbm>>) dst(%dma_wait3A_165 : memref<128xf32, #tpu.memory_space<vmem>>)
      %dma_wait3A_170 = arith.constant 1280 : i32
      %dma_wait3A_171 = tpu.memref_slice %arg7[%dma_wait3A_170] : memref<2048xf32, #tpu.memory_space<vmem>> -> memref<128xf32, #tpu.memory_space<vmem>>
      %dma_wait3A_172 = arith.constant 1280 : i32
      %dma_wait3A_173 = tpu.memref_slice %arg6[%dma_wait3A_172] : memref<2048xi32, #tpu.memory_space<vmem>> -> memref<128xi32, #tpu.memory_space<vmem>>
      %dma_wait3A_174 = arith.constant 0 : i32
      %dma_wait3A_175 = tpu.memref_slice %arg2[%dma_wait3A_174] : memref<33554432xf32, #tpu.memory_space<hbm>> -> memref<33554432xf32, #tpu.memory_space<hbm>>
      tpu.wait_indirect_dma semaphore(%arg13 : memref<!tpu.dma_semaphore, #tpu.memory_space<semaphore_mem>>) src(%dma_wait3A_175 : memref<33554432xf32, #tpu.memory_space<hbm>>) dst(%dma_wait3A_171 : memref<128xf32, #tpu.memory_space<vmem>>)
      %dma_wait3A_176 = arith.constant 1408 : i32
      %dma_wait3A_177 = tpu.memref_slice %arg7[%dma_wait3A_176] : memref<2048xf32, #tpu.memory_space<vmem>> -> memref<128xf32, #tpu.memory_space<vmem>>
      %dma_wait3A_178 = arith.constant 1408 : i32
      %dma_wait3A_179 = tpu.memref_slice %arg6[%dma_wait3A_178] : memref<2048xi32, #tpu.memory_space<vmem>> -> memref<128xi32, #tpu.memory_space<vmem>>
      %dma_wait3A_180 = arith.constant 0 : i32
      %dma_wait3A_181 = tpu.memref_slice %arg2[%dma_wait3A_180] : memref<33554432xf32, #tpu.memory_space<hbm>> -> memref<33554432xf32, #tpu.memory_space<hbm>>
      tpu.wait_indirect_dma semaphore(%arg13 : memref<!tpu.dma_semaphore, #tpu.memory_space<semaphore_mem>>) src(%dma_wait3A_181 : memref<33554432xf32, #tpu.memory_space<hbm>>) dst(%dma_wait3A_177 : memref<128xf32, #tpu.memory_space<vmem>>)
      %dma_wait3A_182 = arith.constant 1536 : i32
      %dma_wait3A_183 = tpu.memref_slice %arg7[%dma_wait3A_182] : memref<2048xf32, #tpu.memory_space<vmem>> -> memref<128xf32, #tpu.memory_space<vmem>>
      %dma_wait3A_184 = arith.constant 1536 : i32
      %dma_wait3A_185 = tpu.memref_slice %arg6[%dma_wait3A_184] : memref<2048xi32, #tpu.memory_space<vmem>> -> memref<128xi32, #tpu.memory_space<vmem>>
      %dma_wait3A_186 = arith.constant 0 : i32
      %dma_wait3A_187 = tpu.memref_slice %arg2[%dma_wait3A_186] : memref<33554432xf32, #tpu.memory_space<hbm>> -> memref<33554432xf32, #tpu.memory_space<hbm>>
      tpu.wait_indirect_dma semaphore(%arg13 : memref<!tpu.dma_semaphore, #tpu.memory_space<semaphore_mem>>) src(%dma_wait3A_187 : memref<33554432xf32, #tpu.memory_space<hbm>>) dst(%dma_wait3A_183 : memref<128xf32, #tpu.memory_space<vmem>>)
      %dma_wait3A_188 = arith.constant 1664 : i32
      %dma_wait3A_189 = tpu.memref_slice %arg7[%dma_wait3A_188] : memref<2048xf32, #tpu.memory_space<vmem>> -> memref<128xf32, #tpu.memory_space<vmem>>
      %dma_wait3A_190 = arith.constant 1664 : i32
      %dma_wait3A_191 = tpu.memref_slice %arg6[%dma_wait3A_190] : memref<2048xi32, #tpu.memory_space<vmem>> -> memref<128xi32, #tpu.memory_space<vmem>>
      %dma_wait3A_192 = arith.constant 0 : i32
      %dma_wait3A_193 = tpu.memref_slice %arg2[%dma_wait3A_192] : memref<33554432xf32, #tpu.memory_space<hbm>> -> memref<33554432xf32, #tpu.memory_space<hbm>>
      tpu.wait_indirect_dma semaphore(%arg13 : memref<!tpu.dma_semaphore, #tpu.memory_space<semaphore_mem>>) src(%dma_wait3A_193 : memref<33554432xf32, #tpu.memory_space<hbm>>) dst(%dma_wait3A_189 : memref<128xf32, #tpu.memory_space<vmem>>)
      %dma_wait3A_194 = arith.constant 1792 : i32
      %dma_wait3A_195 = tpu.memref_slice %arg7[%dma_wait3A_194] : memref<2048xf32, #tpu.memory_space<vmem>> -> memref<128xf32, #tpu.memory_space<vmem>>
      %dma_wait3A_196 = arith.constant 1792 : i32
      %dma_wait3A_197 = tpu.memref_slice %arg6[%dma_wait3A_196] : memref<2048xi32, #tpu.memory_space<vmem>> -> memref<128xi32, #tpu.memory_space<vmem>>
      %dma_wait3A_198 = arith.constant 0 : i32
      %dma_wait3A_199 = tpu.memref_slice %arg2[%dma_wait3A_198] : memref<33554432xf32, #tpu.memory_space<hbm>> -> memref<33554432xf32, #tpu.memory_space<hbm>>
      tpu.wait_indirect_dma semaphore(%arg13 : memref<!tpu.dma_semaphore, #tpu.memory_space<semaphore_mem>>) src(%dma_wait3A_199 : memref<33554432xf32, #tpu.memory_space<hbm>>) dst(%dma_wait3A_195 : memref<128xf32, #tpu.memory_space<vmem>>)
      %dma_wait3A_200 = arith.constant 1920 : i32
      %dma_wait3A_201 = tpu.memref_slice %arg7[%dma_wait3A_200] : memref<2048xf32, #tpu.memory_space<vmem>> -> memref<128xf32, #tpu.memory_space<vmem>>
      %dma_wait3A_202 = arith.constant 1920 : i32
      %dma_wait3A_203 = tpu.memref_slice %arg6[%dma_wait3A_202] : memref<2048xi32, #tpu.memory_space<vmem>> -> memref<128xi32, #tpu.memory_space<vmem>>
      %dma_wait3A_204 = arith.constant 0 : i32
      %dma_wait3A_205 = tpu.memref_slice %arg2[%dma_wait3A_204] : memref<33554432xf32, #tpu.memory_space<hbm>> -> memref<33554432xf32, #tpu.memory_space<hbm>>
      tpu.wait_indirect_dma semaphore(%arg13 : memref<!tpu.dma_semaphore, #tpu.memory_space<semaphore_mem>>) src(%dma_wait3A_205 : memref<33554432xf32, #tpu.memory_space<hbm>>) dst(%dma_wait3A_201 : memref<128xf32, #tpu.memory_space<vmem>>)
      %broadcast_in_dim3A = arith.constant 0.000000e+00 : f32
      %broadcast_in_dim3A_206 = vector.broadcast %broadcast_in_dim3A : f32 to vector<16xf32>
      %broadcast_in_dim3A_207 = arith.constant 0.000000e+00 : f32
      %broadcast_in_dim3A_208 = vector.broadcast %broadcast_in_dim3A_207 : f32 to vector<16xf32>
      %scan3A_209 = arith.constant 0 : i32
      %scan3A_210 = arith.constant 128 : i32
      %scan3A_211 = arith.addi %scan3A_209, %scan3A_210 : i32
      %scan3A_212 = arith.constant 1 : i32
      %scan3A_213:2 = scf.for %scan3A_243 = %scan3A_209 to %scan3A_211 step %scan3A_212 iter_args(%scan3A_244 = %broadcast_in_dim3A_206, %scan3A_245 = %broadcast_in_dim3A_208) -> (vector<16xf32>, vector<16xf32>)  : i32 {
        %mul3A_246 = arith.constant 16 : i32
        %mul3A_247 = arith.muli %scan3A_243, %mul3A_246 : i32
        %get3A = arith.index_cast %mul3A_247 : i32 to index
        %get3A_248 = tpu.vector_load %arg8[%get3A] {strides = array<i32>} : memref<2048xf32, #tpu.memory_space<vmem>>, vector<16xf32>,
        %mul3A_249 = arith.constant 16 : i32
        %mul3A_250 = arith.muli %scan3A_243, %mul3A_249 : i32
        %get3A_251 = arith.index_cast %mul3A_250 : i32 to index
        %get3A_252 = tpu.vector_load %arg9[%get3A_251] {strides = array<i32>} : memref<2048xf32, #tpu.memory_space<vmem>>, vector<16xf32>,
        %mul3A_253 = arith.constant 16 : i32
        %mul3A_254 = arith.muli %scan3A_243, %mul3A_253 : i32
        %get3A_255 = arith.index_cast %mul3A_254 : i32 to index
        %get3A_256 = tpu.vector_load %arg7[%get3A_255] {strides = array<i32>} : memref<2048xf32, #tpu.memory_space<vmem>>, vector<16xf32>,
        %sub3A_257 = arith.constant 1.000000e+00 : f32
        %sub3A_258 = vector.broadcast %sub3A_257 : f32 to vector<16xf32>
        %sub3A_259 = arith.subf %sub3A_258, %get3A_256 : vector<16xf32>
        %gt3A_260 = arith.constant -0.693147182 : f32
        %gt3A_261 = vector.broadcast %gt3A_260 : f32 to vector<16xf32>
        %gt3A_262 = arith.cmpf ogt, %sub3A_259, %gt3A_261 : vector<16xf32>
        %ne3A = arith.constant 0.000000e+00 : f32
        %ne3A_263 = vector.broadcast %ne3A : f32 to vector<16xf32>
        %ne3A_264 = arith.cmpf one, %get3A_252, %ne3A_263 : vector<16xf32>
        %and3A_265 = arith.andi %gt3A_262, %ne3A_264 : vector<16xi1>
        %add3A_266 = arith.addf %scan3A_244, %get3A_248 : vector<16xf32>
        %jit3A_267 = arith.constant 1.000000e+00 : f32
        %jit3A_268 = arith.constant 0.000000e+00 : f32
        %broadcast_in_dim3A_269 = vector.broadcast %jit3A_267 : f32 to vector<16xf32>
        %broadcast_in_dim3A_270 = vector.broadcast %jit3A_268 : f32 to vector<16xf32>
        %select_n3A_271 = arith.select %and3A_265, %broadcast_in_dim3A_269, %broadcast_in_dim3A_270 : vector<16xi1>, vector<16xf32>
        %add3A_272 = arith.addf %scan3A_245, %select_n3A_271 : vector<16xf32>
        scf.yield %add3A_266, %add3A_272 : vector<16xf32>, vector<16xf32>
      }
      %scan3A_214 = arith.constant 128 : i32
      %reduce_sum3A = arith.constant true
      %reduce_sum3A_215 = vector.broadcast %reduce_sum3A : i1 to vector<16xi1>
      %reduce_sum3A_216 = tpu.scan <sum>, %scan3A_213#0 masked %reduce_sum3A_215 : vector<16xf32>, vector<16xi1> -> vector<16xf32>
      %reduce_sum3A_217 = vector.extract %reduce_sum3A_216[15] : f32 from vector<16xf32>
      %reduce_sum3A_218 = arith.constant true
      %reduce_sum3A_219 = vector.broadcast %reduce_sum3A_218 : i1 to vector<16xi1>
      %reduce_sum3A_220 = tpu.scan <sum>, %scan3A_213#1 masked %reduce_sum3A_219 : vector<16xf32>, vector<16xi1> -> vector<16xf32>
      %reduce_sum3A_221 = vector.extract %reduce_sum3A_220[15] : f32 from vector<16xf32>
      %sub3A = arith.constant 1.000000e+00 : f32
      %sub3A_222 = arith.subf %reduce_sum3A_217, %sub3A : f32
      %abs3A = math.absf %sub3A_222 : f32
      %mul3A_223 = arith.mulf %abs3A, %reduce_sum3A_221 : f32
      %gt3A = arith.constant 5.000000e-01 : f32
      %gt3A_224 = arith.cmpf ogt, %reduce_sum3A_221, %gt3A : f32
      %jit3A = arith.constant 1.000000e+00 : f32
      %jit3A_225 = arith.constant 0.000000e+00 : f32
      %select_n3A = arith.select %gt3A_224, %jit3A, %jit3A_225 : f32
      %eq3A_226 = arith.constant 0 : i32
      %eq3A_227 = vector.broadcast %eq3A_226 : i32 to vector<16xi32>
      %eq3A_228 = arith.cmpi eq, %iota3A, %eq3A_227 : vector<16xi32>
      %jit3A_229 = arith.constant 0.000000e+00 : f32
      %broadcast_in_dim3A_230 = vector.broadcast %mul3A_223 : f32 to vector<16xf32>
      %broadcast_in_dim3A_231 = vector.broadcast %jit3A_229 : f32 to vector<16xf32>
      %select_n3A_232 = arith.select %eq3A_228, %broadcast_in_dim3A_230, %broadcast_in_dim3A_231 : vector<16xi1>, vector<16xf32>
      %eq3A_233 = arith.constant 1 : i32
      %eq3A_234 = vector.broadcast %eq3A_233 : i32 to vector<16xi32>
      %eq3A_235 = arith.cmpi eq, %iota3A, %eq3A_234 : vector<16xi32>
      %jit3A_236 = arith.constant 0.000000e+00 : f32
      %broadcast_in_dim3A_237 = vector.broadcast %select_n3A : f32 to vector<16xf32>
      %broadcast_in_dim3A_238 = vector.broadcast %jit3A_236 : f32 to vector<16xf32>
      %select_n3A_239 = arith.select %eq3A_235, %broadcast_in_dim3A_237, %broadcast_in_dim3A_238 : vector<16xi1>, vector<16xf32>
      %add3A = arith.addf %select_n3A_232, %select_n3A_239 : vector<16xf32>
      %swap3A = arith.constant 0 : index
      %swap3A_240 = tpu.vector_load %arg10[%swap3A] {strides = array<i32>} : memref<16xf32, #tpu.memory_space<vmem>>, vector<16xf32>,
      tpu.vector_store %arg10[%swap3A], %add3A {strides = array<i32>} : memref<16xf32, #tpu.memory_space<vmem>>, vector<16xf32>,
      %mul3A_241 = arith.constant 16 : i32
      %mul3A_242 = arith.muli %arg1, %mul3A_241 : i32
      "tpu.region"() ({
        %run_scoped3A = tpu.sem_alloc : memref<!tpu.dma_semaphore, #tpu.memory_space<semaphore_mem>>
        %dma_start3A_243 = tpu.memref_slice %arg12[%mul3A_242] : memref<256xf32, #tpu.memory_space<vmem_shared>> -> memref<16xf32, #tpu.memory_space<vmem_shared>>
        %dma_start3A_244 = tpu.memref_slice %arg12[%mul3A_242] : memref<256xf32, #tpu.memory_space<vmem_shared>> -> memref<16xf32, #tpu.memory_space<vmem_shared>>
        tpu.enqueue_dma source(%arg10 : memref<16xf32, #tpu.memory_space<vmem>>) target(%dma_start3A_244 : memref<16xf32, #tpu.memory_space<vmem_shared>>) target_semaphore(%run_scoped3A : memref<!tpu.dma_semaphore, #tpu.memory_space<semaphore_mem>>)
        %dma_wait3A_245 = tpu.memref_slice %arg12[%mul3A_242] : memref<256xf32, #tpu.memory_space<vmem_shared>> -> memref<16xf32, #tpu.memory_space<vmem_shared>>
        %dma_wait3A_246 = tpu.memref_slice %arg12[%mul3A_242] : memref<256xf32, #tpu.memory_space<vmem_shared>> -> memref<16xf32, #tpu.memory_space<vmem_shared>>
        tpu.wait_dma2 semaphore(%run_scoped3A : memref<!tpu.dma_semaphore, #tpu.memory_space<semaphore_mem>>) src(%arg10 : memref<16xf32, #tpu.memory_space<vmem>>) dst(%dma_wait3A_246 : memref<16xf32, #tpu.memory_space<vmem_shared>>)
        tpu.yield
      }) : () -> ()
    } else {
    }
    %barrier3A = arith.constant 0 : index
    tpu.barrier barrier_id(%barrier3A)
    %eq3A_2 = arith.constant 0 : i32
    %eq3A_3 = arith.cmpi eq, %arg0, %eq3A_2 : i32
    %eq3A_4 = arith.constant 0 : i32
    %eq3A_5 = arith.cmpi eq, %arg1, %eq3A_4 : i32
    %and3A = arith.andi %eq3A_3, %eq3A_5 : i1
    %convert_element_type3A_6 = arith.extui %and3A : i1 to i32
    %cond3A_7 = arith.constant 0 : i32
    %cond3A_8 = arith.cmpi ne, %convert_element_type3A_6, %cond3A_7 : i32
    scf.if %cond3A_8 {
      "tpu.region"() ({
        %run_scoped3A = tpu.sem_alloc : memref<!tpu.dma_semaphore, #tpu.memory_space<semaphore_mem>>
        tpu.enqueue_dma source(%arg12 : memref<256xf32, #tpu.memory_space<vmem_shared>>) target(%arg11 : memref<256xf32, #tpu.memory_space<vmem>>) target_semaphore(%run_scoped3A : memref<!tpu.dma_semaphore, #tpu.memory_space<semaphore_mem>>)
        tpu.wait_dma2 semaphore(%run_scoped3A : memref<!tpu.dma_semaphore, #tpu.memory_space<semaphore_mem>>) src(%arg12 : memref<256xf32, #tpu.memory_space<vmem_shared>>) dst(%arg11 : memref<256xf32, #tpu.memory_space<vmem>>)
        tpu.yield
      }) : () -> ()
      %iota3A = tpu.iota {dimensions = array<i32: 0>} : vector<16xi32>
      %broadcast_in_dim3A = arith.constant 0.000000e+00 : f32
      %broadcast_in_dim3A_9 = vector.broadcast %broadcast_in_dim3A : f32 to vector<16xf32>
      %get3A = arith.constant 0 : index
      %get3A_10 = tpu.vector_load %arg11[%get3A] {strides = array<i32>} : memref<256xf32, #tpu.memory_space<vmem>>, vector<16xf32>,
      %add3A = arith.addf %broadcast_in_dim3A_9, %get3A_10 : vector<16xf32>
      %get3A_11 = arith.constant 16 : index
      %get3A_12 = tpu.vector_load %arg11[%get3A_11] {strides = array<i32>} : memref<256xf32, #tpu.memory_space<vmem>>, vector<16xf32>,
      %add3A_13 = arith.addf %add3A, %get3A_12 : vector<16xf32>
      %get3A_14 = arith.constant 32 : index
      %get3A_15 = tpu.vector_load %arg11[%get3A_14] {strides = array<i32>} : memref<256xf32, #tpu.memory_space<vmem>>, vector<16xf32>,
      %add3A_16 = arith.addf %add3A_13, %get3A_15 : vector<16xf32>
      %get3A_17 = arith.constant 48 : index
      %get3A_18 = tpu.vector_load %arg11[%get3A_17] {strides = array<i32>} : memref<256xf32, #tpu.memory_space<vmem>>, vector<16xf32>,
      %add3A_19 = arith.addf %add3A_16, %get3A_18 : vector<16xf32>
      %get3A_20 = arith.constant 64 : index
      %get3A_21 = tpu.vector_load %arg11[%get3A_20] {strides = array<i32>} : memref<256xf32, #tpu.memory_space<vmem>>, vector<16xf32>,
      %add3A_22 = arith.addf %add3A_19, %get3A_21 : vector<16xf32>
      %get3A_23 = arith.constant 80 : index
      %get3A_24 = tpu.vector_load %arg11[%get3A_23] {strides = array<i32>} : memref<256xf32, #tpu.memory_space<vmem>>, vector<16xf32>,
      %add3A_25 = arith.addf %add3A_22, %get3A_24 : vector<16xf32>
      %get3A_26 = arith.constant 96 : index
      %get3A_27 = tpu.vector_load %arg11[%get3A_26] {strides = array<i32>} : memref<256xf32, #tpu.memory_space<vmem>>, vector<16xf32>,
      %add3A_28 = arith.addf %add3A_25, %get3A_27 : vector<16xf32>
      %get3A_29 = arith.constant 112 : index
      %get3A_30 = tpu.vector_load %arg11[%get3A_29] {strides = array<i32>} : memref<256xf32, #tpu.memory_space<vmem>>, vector<16xf32>,
      %add3A_31 = arith.addf %add3A_28, %get3A_30 : vector<16xf32>
      %get3A_32 = arith.constant 128 : index
      %get3A_33 = tpu.vector_load %arg11[%get3A_32] {strides = array<i32>} : memref<256xf32, #tpu.memory_space<vmem>>, vector<16xf32>,
      %add3A_34 = arith.addf %add3A_31, %get3A_33 : vector<16xf32>
      %get3A_35 = arith.constant 144 : index
      %get3A_36 = tpu.vector_load %arg11[%get3A_35] {strides = array<i32>} : memref<256xf32, #tpu.memory_space<vmem>>, vector<16xf32>,
      %add3A_37 = arith.addf %add3A_34, %get3A_36 : vector<16xf32>
      %get3A_38 = arith.constant 160 : index
      %get3A_39 = tpu.vector_load %arg11[%get3A_38] {strides = array<i32>} : memref<256xf32, #tpu.memory_space<vmem>>, vector<16xf32>,
      %add3A_40 = arith.addf %add3A_37, %get3A_39 : vector<16xf32>
      %get3A_41 = arith.constant 176 : index
      %get3A_42 = tpu.vector_load %arg11[%get3A_41] {strides = array<i32>} : memref<256xf32, #tpu.memory_space<vmem>>, vector<16xf32>,
      %add3A_43 = arith.addf %add3A_40, %get3A_42 : vector<16xf32>
      %get3A_44 = arith.constant 192 : index
      %get3A_45 = tpu.vector_load %arg11[%get3A_44] {strides = array<i32>} : memref<256xf32, #tpu.memory_space<vmem>>, vector<16xf32>,
      %add3A_46 = arith.addf %add3A_43, %get3A_45 : vector<16xf32>
      %get3A_47 = arith.constant 208 : index
      %get3A_48 = tpu.vector_load %arg11[%get3A_47] {strides = array<i32>} : memref<256xf32, #tpu.memory_space<vmem>>, vector<16xf32>,
      %add3A_49 = arith.addf %add3A_46, %get3A_48 : vector<16xf32>
      %get3A_50 = arith.constant 224 : index
      %get3A_51 = tpu.vector_load %arg11[%get3A_50] {strides = array<i32>} : memref<256xf32, #tpu.memory_space<vmem>>, vector<16xf32>,
      %add3A_52 = arith.addf %add3A_49, %get3A_51 : vector<16xf32>
      %get3A_53 = arith.constant 240 : index
      %get3A_54 = tpu.vector_load %arg11[%get3A_53] {strides = array<i32>} : memref<256xf32, #tpu.memory_space<vmem>>, vector<16xf32>,
      %add3A_55 = arith.addf %add3A_52, %get3A_54 : vector<16xf32>
      %eq3A_56 = arith.constant 0 : i32
      %eq3A_57 = vector.broadcast %eq3A_56 : i32 to vector<16xi32>
      %eq3A_58 = arith.cmpi eq, %iota3A, %eq3A_57 : vector<16xi32>
      %jit3A = arith.constant 0.000000e+00 : f32
      %broadcast_in_dim3A_59 = vector.broadcast %jit3A : f32 to vector<16xf32>
      %select_n3A = arith.select %eq3A_58, %add3A_55, %broadcast_in_dim3A_59 : vector<16xi1>, vector<16xf32>
      %reduce_sum3A = arith.constant true
      %reduce_sum3A_60 = vector.broadcast %reduce_sum3A : i1 to vector<16xi1>
      %reduce_sum3A_61 = tpu.scan <sum>, %select_n3A masked %reduce_sum3A_60 : vector<16xf32>, vector<16xi1> -> vector<16xf32>
      %reduce_sum3A_62 = vector.extract %reduce_sum3A_61[15] : f32 from vector<16xf32>
      %eq3A_63 = arith.constant 1 : i32
      %eq3A_64 = vector.broadcast %eq3A_63 : i32 to vector<16xi32>
      %eq3A_65 = arith.cmpi eq, %iota3A, %eq3A_64 : vector<16xi32>
      %jit3A_66 = arith.constant 0.000000e+00 : f32
      %broadcast_in_dim3A_67 = vector.broadcast %jit3A_66 : f32 to vector<16xf32>
      %select_n3A_68 = arith.select %eq3A_65, %add3A_55, %broadcast_in_dim3A_67 : vector<16xi1>, vector<16xf32>
      %reduce_sum3A_69 = arith.constant true
      %reduce_sum3A_70 = vector.broadcast %reduce_sum3A_69 : i1 to vector<16xi1>
      %reduce_sum3A_71 = tpu.scan <sum>, %select_n3A_68 masked %reduce_sum3A_70 : vector<16xf32>, vector<16xi1> -> vector<16xf32>
      %reduce_sum3A_72 = vector.extract %reduce_sum3A_71[15] : f32 from vector<16xf32>
      %broadcast_in_dim3A_73 = arith.constant 0.000000e+00 : f32
      %broadcast_in_dim3A_74 = vector.broadcast %broadcast_in_dim3A_73 : f32 to vector<16xf32>
      %add3A_75 = vector.broadcast %reduce_sum3A_62 : f32 to vector<16xf32>
      %add3A_76 = arith.addf %broadcast_in_dim3A_74, %add3A_75 : vector<16xf32>
      %broadcast_in_dim3A_77 = arith.constant 0.000000e+00 : f32
      %broadcast_in_dim3A_78 = vector.broadcast %broadcast_in_dim3A_77 : f32 to vector<16xf32>
      %add3A_79 = vector.broadcast %reduce_sum3A_72 : f32 to vector<16xf32>
      %add3A_80 = arith.addf %broadcast_in_dim3A_78, %add3A_79 : vector<16xf32>
      %gt3A = arith.constant 0.000000e+00 : f32
      %gt3A_81 = vector.broadcast %gt3A : f32 to vector<16xf32>
      %gt3A_82 = arith.cmpf ogt, %add3A_80, %gt3A_81 : vector<16xf32>
      %div3A = arith.divf %add3A_76, %add3A_80 : vector<16xf32>
      %jit3A_83 = arith.constant 0.000000e+00 : f32
      %broadcast_in_dim3A_84 = vector.broadcast %jit3A_83 : f32 to vector<16xf32>
      %select_n3A_85 = arith.select %gt3A_82, %div3A, %broadcast_in_dim3A_84 : vector<16xi1>, vector<16xf32>
      %swap3A = arith.constant 0 : index
      %swap3A_86 = tpu.vector_load %arg10[%swap3A] {strides = array<i32>} : memref<16xf32, #tpu.memory_space<vmem>>, vector<16xf32>,
      tpu.vector_store %arg10[%swap3A], %select_n3A_85 {strides = array<i32>} : memref<16xf32, #tpu.memory_space<vmem>>, vector<16xf32>,
      "tpu.region"() ({
        %run_scoped3A = tpu.sem_alloc : memref<!tpu.dma_semaphore, #tpu.memory_space<semaphore_mem>>
        tpu.enqueue_dma source(%arg10 : memref<16xf32, #tpu.memory_space<vmem>>) target(%arg5 : memref<16xf32, #tpu.memory_space<hbm>>) target_semaphore(%run_scoped3A : memref<!tpu.dma_semaphore, #tpu.memory_space<semaphore_mem>>)
        tpu.wait_dma2 semaphore(%run_scoped3A : memref<!tpu.dma_semaphore, #tpu.memory_space<semaphore_mem>>) src(%arg10 : memref<16xf32, #tpu.memory_space<vmem>>) dst(%arg5 : memref<16xf32, #tpu.memory_space<hbm>>)
        tpu.yield
      }) : () -> ()
    } else {
    }
    return
  }
}

</mosaic_0001>

<sc_bundles>
// kernel: kernel.3.cloned.1.call-start
scs
__scs_entry_jumppad:
0x0: {  	(pc) =	sbr.rel $0x88, $3  }
0x1: {  	(tag) =	ssettag $0x0;
	lr =	simm.s32 $0x1  }
0x2: {  	[smem:$0x3F9E] =	sst lr;
	_ =	strace $0xD0000000  }
0x3: {  	_ = 	snop  }
0x4: {  	_ = 	snop  }
0x5: {  	_ = 	snop  }
0x6: {  	_ = 	snop  }
0x7: {  	_ = 	snop  }
__scs_overlays_trampoline_lowered:
0x8: {  	[smem:$0x3FAD] =	sst s0  }
0x9: {  	[smem:$0x3FAE] =	sst s1  }
0xa: {  	[smem:$0x3FAF] =	sst s2  }
0xb: {  	[smem:$0x3FB0] =	sst s3  }
0xc: {  	[smem:$0x3FB1] =	sst s4  }
0xd: {  	[smem:$0x3FB2] =	sst s5  }
0xe: {  	[smem:$0x3FB3] =	sst s6  }
0xf: {  	[smem:$0x3FB4] =	sst s7  }
0x10: {  	[smem:$0x3FB5] =	sst s8  }
0x11: {  	[smem:$0x3FB6] =	sst s9;
	s0 =	simm.s32 @!p0 $0x0  }
0x12: {  	s1 =	sld [smem:$0x3F9C];
	s0 =	simm.s32 @p0 $0x1  }
0x13: {  	[smem:$0x3FB7] =	sst s0;
	s0 =	simm.s32 @!p1 $0x0  }
0x14: {  	s2 =	sld [smem:$0x3F9B];
	s0 =	simm.s32 @p1 $0x1  }
0x15: {  	[smem:$0x3FB8] =	sst s0;
	s0 =	simm.s32 @!p2 $0x0  }
0x16: {  	s3 =	sld [smem:$0x3FDB];
	s0 =	simm.s32 @p2 $0x1  }
0x17: {  	s4 =	simm.s32 $0x1BF5;
	[smem:$0x3FBA] =	sst s0  }
0x18: {  	s0 =	sld [smem:$0x3F9D];
	_ =	swait.ge [sflag:s4], $0x0  }
0x19: {  	s7 =	sld [smem:$0x3F9E]  }
0x1a: {  	s8 =	sadd.s32 $0xFFFFE003, lr  }
0x1b: {  	s9 =	sadd.s32 $0xFFFFFEF7, lr;
	s5 =	simm.s32 $0xFFFFFFFF;
	p2 =	slt.u32 s8, $0xFFFFF086  }
0x1c: {  	p1 =	slt.u32 s9, $0xF7A;
	s5 =	simm.s32 @!p2 $0x0  }
0x1d: {  	s5 =	simm.s32 @p1 $0x1;
	p0 =	seq.s32 s7, s2  }
0x1e: {  	s7 =	smul.u32 @!p0 $0xF7A, s2;
	p2 =	seq.s32 @!p0 s5, $0x0  }
0x1f: {  	s9 =	smul.u32 $0xF7A, s1;
	s8 =	simm.s32 @!p0 $0x1BF5;
	p2 =	por !p2, p0  }
0x20: {  	[sflag:s8] =	ssyncset.s32 @!p0 $0xFFFFF086;
	s6 =	sadd.s32 @!p0 s3, s7;
	s7 =	simm.s32 @!p0 $0x108  }
0x21: {  	s3 =	sadd.s32 s3, s9;
	s6 =	sadd.s32 @!p0 $0x88, s6;
	s7 =	simm.s32 @p2 $0x1082  }
0x22: {  	[simem:s7], [sflag:s8] =	dma.local @!p0 [hbm:s6], $0xF7A  }
0x23: {  	s9 =	sor.u32 $0xD0000000, s2;
	s6 =	simm.s32 $0x108;
	_ =	swait.ge @!p0 [sflag:s8], $0x0  }
0x24: {  	s3 =	sadd.s32 $0x88, s3;
	s6 =	simm.s32 @!p1 $0x1082;
	[sflag:s4] =	ssyncset.s32 $0xFFFFF086  }
0x25: {  	[simem:s6], [sflag:s4] =	dma.local [hbm:s3], $0xF7A  }
0x26: {  	[smem:$0x3F9E] =	sst s1;
	(tag) =	ssettag s2;
	_ =	strace s9  }
0x27: {  	s1 =	sld [smem:$0x3FAE]  }
0x28: {  	s2 =	sld [smem:$0x3FAF]  }
0x29: {  	s4 =	sld [smem:$0x3FB1]  }
0x2a: {  	p0 =	seq.s32 s5, $0x0;
	s5 =	sld [smem:$0x3FB2]  }
0x2b: {  	s6 =	sld [smem:$0x3FB3]  }
0x2c: {  	s7 =	sld [smem:$0x3FB4]  }
0x2d: {  	s3 =	simm.s32 $0x108;
	s8 =	sld [smem:$0x3FB5]  }
0x2e: {  	s3 =	simm.s32 @!p0 $0x1082;
	s9 =	sld [smem:$0x3FB6]  }
0x2f: {  	lr =	sadd.s32 s0, s3;
	s0 =	sld [smem:$0x3FAD]  }
0x30: {  	s3 =	sld [smem:$0x3FB0]  }
0x31: {  	[smem:$0x3FB9] =	sst s10  }
0x32: {  	s10 =	sld [smem:$0x3FB7];
	_ =	sdelay $0x3  }
0x33: {  	p0 =	seq.s32 s10, $0x1;
	s10 =	sld [smem:$0x3FB9];
	_ =	sdelay $0x3  }
0x34: {  	[smem:$0x3FB9] =	sst s10  }
0x35: {  	s10 =	sld [smem:$0x3FB8];
	_ =	sdelay $0x3  }
0x36: {  	p1 =	seq.s32 s10, $0x1;
	s10 =	sld [smem:$0x3FB9];
	_ =	sdelay $0x3  }
0x37: {  	[smem:$0x3FB9] =	sst s10  }
0x38: {  	s10 =	sld [smem:$0x3FBA]  }
0x39: {  	_ = 	snop;
	(pc) =	sbr.ind lr, $3  }
0x3a: {  	_ = 	snop  }
0x3b: {  	_ = 	snop  }
0x3c: {  	p2 =	seq.s32 s10, $0x1;
	s10 =	sld [smem:$0x3FB9]  }
0x3d: {  	_ =	shalt  }
0x3e: {  	_ =	shalt  }
0x3f: {  	_ =	shalt  }
0x40: {  	_ =	shalt  }
0x41: {  	_ =	shalt  }
0x42: {  	_ =	shalt  }
0x43: {  	_ =	shalt  }
0x44: {  	_ =	shalt  }
0x45: {  	_ =	shalt  }
0x46: {  	_ =	shalt  }
0x47: {  	_ =	shalt  }
0x48: {  	_ =	shalt  }
0x49: {  	_ =	shalt  }
0x4a: {  	_ =	shalt  }
0x4b: {  	_ =	shalt  }
0x4c: {  	_ =	shalt  }
0x4d: {  	_ =	shalt  }
0x4e: {  	_ =	shalt  }
0x4f: {  	_ =	shalt  }
0x50: {  	_ =	shalt  }
0x51: {  	_ =	shalt  }
0x52: {  	_ =	shalt  }
0x53: {  	_ =	shalt  }
0x54: {  	_ =	shalt  }
0x55: {  	_ =	shalt  }
0x56: {  	_ =	shalt  }
0x57: {  	_ =	shalt  }
0x58: {  	_ =	shalt  }
0x59: {  	_ =	shalt  }
0x5a: {  	_ =	shalt  }
0x5b: {  	_ =	shalt  }
0x5c: {  	_ =	shalt  }
0x5d: {  	_ =	shalt  }
0x5e: {  	_ =	shalt  }
0x5f: {  	_ =	shalt  }
0x60: {  	_ =	shalt  }
0x61: {  	_ =	shalt  }
0x62: {  	_ =	shalt  }
0x63: {  	_ =	shalt  }
0x64: {  	_ =	shalt  }
0x65: {  	_ =	shalt  }
0x66: {  	_ =	shalt  }
0x67: {  	_ =	shalt  }
0x68: {  	_ =	shalt  }
0x69: {  	_ =	shalt  }
0x6a: {  	_ =	shalt  }
0x6b: {  	_ =	shalt  }
0x6c: {  	_ =	shalt  }
0x6d: {  	_ =	shalt  }
0x6e: {  	_ =	shalt  }
0x6f: {  	_ =	shalt  }
0x70: {  	_ =	shalt  }
0x71: {  	_ =	shalt  }
0x72: {  	_ =	shalt  }
0x73: {  	_ =	shalt  }
0x74: {  	_ =	shalt  }
0x75: {  	_ =	shalt  }
0x76: {  	_ =	shalt  }
0x77: {  	_ =	shalt  }
0x78: {  	_ =	shalt  }
0x79: {  	_ =	shalt  }
0x7a: {  	_ =	shalt  }
0x7b: {  	_ =	shalt  }
0x7c: {  	_ =	shalt  }
0x7d: {  	_ =	shalt  }
0x7e: {  	_ =	shalt  }
0x7f: {  	_ =	shalt  }
0x80: {  	_ =	shalt  }
0x81: {  	_ =	shalt  }
0x82: {  	_ =	shalt  }
0x83: {  	_ =	shalt  }
0x84: {  	_ =	shalt  }
0x85: {  	_ =	shalt  }
0x86: {  	_ =	shalt  }
0x87: {  	_ =	shalt  }
.Lfunc_end0:
.L_simem_size_0:
called_computation_lowered:
.L_overlay_start_0:
0x88: {  	s0 =	sld [smem:$0x3FD9]  }
0x89: {  	s1 =	sld [smem:$0x3FFE];
	_ =	sdelay $0x3  }
0x8a: {  	s0 =	sadd.s32 s1, s0  }
0x8b: {  	[smem:$0x3FC5] =	sst s0  }
0x8c: {  	_ = 	snop  }
0x8d: {  	s0 =	sld [smem:$0x3FC8]  }
0x8e: {  	s16 =	sld [smem:$0x3FD0];
	(tm) =	ssettm $0x1  }
0x8f: {  	s2 =	sld [smem:$0x3FFB];
	_ =	sdelay $0x3  }
0x90: {  	_ =	strace s2  }
0x91: {  	s2 =	sld [smem:$0x3FFC];
	_ =	sdelay $0x3  }
0x92: {  	_ =	strace s2  }
0x93: {  	s2 =	sld [smem:$0x3FFD];
	_ =	sdelay $0x3  }
0x94: {  	_ =	strace s2  }
0x95: {  	_ =	strace $0x8FFFFFFF  }
0x96: {  	s17 =	sld [smem:$0x3FDB];
	_ =	sdelay $0x1  }
0x97: {  	s3 =	simm.s32 $_scs_section_size  }
0x98: {  	s4 =	simm.s32 $_size__tile_overlayer_lowered;
	s5 =	simm.s32 $_tile_overlayer_lowered  }
0x99: {  	s20 =	simm.s32 $0x1BFF;
	s19 =	sshll.u32 s5, $0x1;
	s2 =	sadd.s32 s3, s17  }
0x9a: {  	s6 =	simm.s32 $0x0;
	s18 =	sshll.u32 s4, $0x1;
	s4 =	sadd.s32 s19, s2  }
0x9b: {  	[timem:s6], [sflag:s20] =	dma.local [hbm:s4], s18  }
0x9c: {  	_ =	swait.ge [sflag:s20], s18  }
0x9d: {  	s3 =	ssub.s32 $0x0, s18;
	[sflag:s20] =	ssyncset.done $0x0  }
0x9e: {  	[sflag:s20] =	ssyncadd.s32 s3;
	_ =	sdelay $0x1  }
0x9f: {  	s21 =	simm.s32 $0x1B8B  }
0xa0: {  	_ =	swait.ge [sflag:s21], $0x1  }
0xa1: {  	[sflag:s21] =	ssyncset.done $0x0  }
0xa2: {  	s23 =	simm.s32 $0x1B8E;
	s22 =	sld [smem:$0x3FFE];
	[sflag:s21] =	ssyncadd.s32 $0xFFFFFFFF  }
0xa3: {  	s24 =	simm.s32 $execute0_lowered;
	[smem:$0x3FD2] =	sst s23  }
0xa4: {  	s4 =	sshll.u32 s24, $0x1;
	_ =	strace $0x80000046;
	[dreg:$0x1] =	wrdreg $0xFFFFFFFF  }
0xa5: {  	s25 =	simm.s32 $_size_execute0_lowered;
	s2 =	sadd.s32 s2, s4;
	[dreg:$0x0] =	wrdreg $0x0  }
0xa6: {  	s4 =	sshll.u32 s25, $0x1;
	[dreg:$0x2] =	wrdreg s2  }
0xa7: {  	[dreg:$0x3] =	wrdreg s4  }
0xa8: {  	[dreg:$0x4] =	wrdreg $0xC0  }
0xa9: {  	_ =	task [dreg:s6], $0x5FFFF  }
0xaa: {  	[dreg:$0x1] =	wrdreg $0xFFFFFFFF  }
0xab: {  	[dreg:$0x0] =	wrdreg $0x60  }
0xac: {  	[dreg:$0x2] =	wrdreg s0  }
0xad: {  	[dreg:$0x3] =	wrdreg s22  }
0xae: {  	[dreg:$0x4] =	wrdreg s16  }
0xaf: {  	[dreg:$0x5] =	wrdreg $0x21800  }
0xb0: {  	[dreg:$0x6] =	wrdreg $0x9  }
0xb1: {  	_ =	task.clear_ibuf [dreg:s6], $0x7FFFF;
	_ =	strace $0x90000046  }
0xb2: {  	s26 =	simm.s32 $0x9;
	_ =	strace $0x80000048  }
0xb3: {  	_ =	swait.ge [sflag:s26], $0x1  }
0xb4: {  	[sflag:s26] =	ssyncadd.s32 $0xFFFFFFFF  }
0xb5: {  	_ =	strace $0x90000048  }
0xb6: {  	_ =	sfence  }
0xb7: {  	s28 =	sld [smem:$0x0];
	_ =	sdelay $0x1  }
0xb8: {  	s29 =	srdreg.scid  }
0xb9: {  	s30 =	sshll.u32 s29, $0xD;
	s31 =	sshrl.u32 s29, $0x2  }
0xba: {  	s1 =	sand.u32 $0x1, s29;
	s2 =	sand.u32 $0x4000, s30;
	s0 =	sadd.s32 s31, s28  }
0xbb: {  	s1 =	sor.u32 s2, s1;
	s0 =	sshll.u32 s0, $0x11  }
0xbc: {  	s0 =	sor.u32 s0, s1  }
0xbd: {  	s0 =	sadd.s32 $0x8F2B, s0  }
0xbe: {  	[sflag:s0] =	ssyncadd.remote.s32 $0x1  }
0xbf: {  	_ =	sfence.sel $0xFFFF  }
0xc0: {  	[dreg:$0x0] =	wrdreg $0xFFFFFFFF;
	(pc) =	sbr.abs _section_cstart, $3  }
0xc1: {  	[dreg:$0x1] =	wrdreg $0xFFFFFFFF  }
0xc2: {  	_ =	task.clear_ibuf [dreg:s6], $0x2FFFF;
	_ =	strace $0x9FFFFFFF  }
0xc3: {  	(tm) =	ssettm $0x7FFFFFFF  }
tec
execute0_lowered:
.L_overlay_start_1:
0x0: {  	(tag) =	ssettag $0x1  }
0x1: {  	s4 =	rddreg [dreg:$0x0]  }
0x2: {  	s6 =	rddreg [dreg:$0x1];
	s3 =	stileid.u32  }
0x3: {  	s1 =	rddreg [dreg:$0x2];
	v1 =	vlaneseq.u32;
	s8 =	sshll.u32 s3, $0xB  }
0x4: {  	s2 =	rddreg [dreg:$0x3];
	v0 =	vmul.u32 $0x400, v1;
	v2 =	vmov s8  }
0x5: {  	s0 =	rddreg [dreg:$0x4];
	s5 =	simm.s32 $0x0;
	v1 =	vand.u32 $0x7, v1;
	v2 =	vshll.u32 v2, $0xA  }
0x6: {  	[smem:$0x7FF] =	sst s5;
	s5 =	sshll.u32 s3, $0x8;
	v1 =	vmul.u32 $0x80, v1;
	v2 =	vor.u32 v0, v2  }
0x7: {  	s9 =	simm.s32 $0x40;
	s10 =	simm.s32 $0x0;
	s7 =	sadd.s32 s5, s6;
	v2 =	vand.u32 $0x7FFFE000, v2  }
0x8: {  	_ =	strace $0x80000047;
	s6 =	sadd.s32 $0x1400, s6;
	s7 =	sadd.s32 $0x400, s7;
	v2 =	vor.u32 v1, v2  }
.LBB2_1:
0x9: {  	p0 =	sne.s32 s9, $0x1FC0  }
0xa: {  	[tilespmem:s10+$0x0] =	vst v2;
	s8 =	sadd.s32 $0x10, s8;
	s10 =	smov.u32 s9;
	s9 =	sadd.s32 $0x40, s9  }
.Ltmp0:
0xb: {  	v2 =	vmov s8;
	(pc) =	sbr.rel @p0 .LBB2_1-.Ltmp0, $4  }
0xc: {  	v2 =	vshll.u32 v2, $0xA  }
0xd: {  	v2 =	vor.u32 v0, v2  }
0xe: {  	v2 =	vand.u32 $0x7FFFE000, v2  }
0xf: {  	s10 =	sshra.s32 s10, $0x2;
	v2 =	vor.u32 v1, v2  }
0x10: {  	[tilespmem:s10+$0x0] =	vst v2;
	s8 =	simm.s32 $0x80;
	s9 =	simm.s32 $0x0;
	s16 =	simm.s32 $0x800  }
0x11: {  	[tilespmem:s16], [sflag:$0x1] =	stream.indirect.gather [hbm4b:s4+s8], $0x1, s9, s8, $0xb8;
	[tilespmem:$0x2190] =	vst v63  }
0x12: {  	s17 =	simm.s32 $0x880  }
0x13: {  	[tilespmem:s17], [sflag:$0x1] =	stream.indirect.gather [hbm4b:s4+s8], $0x1, s8, s8, $0xb8;
	[tilespmem:$0x2190] =	vst v63  }
0x14: {  	s18 =	simm.s32 $0x100;
	s11 =	simm.s32 $0x900  }
0x15: {  	[tilespmem:s11], [sflag:$0x1] =	stream.indirect.gather [hbm4b:s4+s8], $0x1, s18, s8, $0xb8;
	[tilespmem:$0x2190] =	vst v63  }
0x16: {  	s19 =	simm.s32 $0x180;
	s20 =	simm.s32 $0x980  }
0x17: {  	[tilespmem:s20], [sflag:$0x1] =	stream.indirect.gather [hbm4b:s4+s8], $0x1, s19, s8, $0xb8;
	[tilespmem:$0x2190] =	vst v63  }
0x18: {  	s21 =	simm.s32 $0x200;
	s22 =	simm.s32 $0xA00  }
0x19: {  	[tilespmem:s22], [sflag:$0x1] =	stream.indirect.gather [hbm4b:s4+s8], $0x1, s21, s8, $0xb8;
	[tilespmem:$0x2190] =	vst v63  }
0x1a: {  	s23 =	simm.s32 $0x280;
	s24 =	simm.s32 $0xA80  }
0x1b: {  	[tilespmem:s24], [sflag:$0x1] =	stream.indirect.gather [hbm4b:s4+s8], $0x1, s23, s8, $0xb8;
	[tilespmem:$0x2190] =	vst v63  }
0x1c: {  	s25 =	simm.s32 $0x300;
	s26 =	simm.s32 $0xB00  }
0x1d: {  	[tilespmem:s26], [sflag:$0x1] =	stream.indirect.gather [hbm4b:s4+s8], $0x1, s25, s8, $0xb8;
	[tilespmem:$0x2190] =	vst v63  }
0x1e: {  	s28 =	simm.s32 $0x380;
	s29 =	simm.s32 $0xB80  }
0x1f: {  	[tilespmem:s29], [sflag:$0x1] =	stream.indirect.gather [hbm4b:s4+s8], $0x1, s28, s8, $0xb8;
	[tilespmem:$0x2190] =	vst v63  }
0x20: {  	s30 =	simm.s32 $0x400;
	s31 =	simm.s32 $0xC00  }
0x21: {  	[tilespmem:s31], [sflag:$0x1] =	stream.indirect.gather [hbm4b:s4+s8], $0x1, s30, s8, $0xb8;
	[tilespmem:$0x2190] =	vst v63  }
0x22: {  	s12 =	simm.s32 $0x480;
	s13 =	simm.s32 $0xC80  }
0x23: {  	[tilespmem:s13], [sflag:$0x1] =	stream.indirect.gather [hbm4b:s4+s8], $0x1, s12, s8, $0xb8;
	[tilespmem:$0x2190] =	vst v63  }
0x24: {  	s14 =	simm.s32 $0x500;
	s15 =	simm.s32 $0xD00  }
0x25: {  	[tilespmem:s15], [sflag:$0x1] =	stream.indirect.gather [hbm4b:s4+s8], $0x1, s14, s8, $0xb8;
	[tilespmem:$0x2190] =	vst v63  }
0x26: {  	s16 =	simm.s32 $0x580;
	s17 =	simm.s32 $0xD80  }
0x27: {  	[tilespmem:s17], [sflag:$0x1] =	stream.indirect.gather [hbm4b:s4+s8], $0x1, s16, s8, $0xb8;
	[tilespmem:$0x2190] =	vst v63  }
0x28: {  	s18 =	simm.s32 $0x600;
	s19 =	simm.s32 $0xE00  }
0x29: {  	[tilespmem:s19], [sflag:$0x1] =	stream.indirect.gather [hbm4b:s4+s8], $0x1, s18, s8, $0xb8;
	[tilespmem:$0x2190] =	vst v63  }
0x2a: {  	s20 =	simm.s32 $0x680;
	s21 =	simm.s32 $0xE80  }
0x2b: {  	[tilespmem:s21], [sflag:$0x1] =	stream.indirect.gather [hbm4b:s4+s8], $0x1, s20, s8, $0xb8;
	[tilespmem:$0x2190] =	vst v63  }
0x2c: {  	s22 =	simm.s32 $0x700;
	s23 =	simm.s32 $0xF00  }
0x2d: {  	[tilespmem:s23], [sflag:$0x1] =	stream.indirect.gather [hbm4b:s4+s8], $0x1, s22, s8, $0xb8;
	[tilespmem:$0x2190] =	vst v63  }
0x2e: {  	s24 =	simm.s32 $0x780;
	s25 =	simm.s32 $0xF80  }
0x2f: {  	[tilespmem:s25], [sflag:$0x1] =	stream.indirect.gather [hbm4b:s4+s8], $0x1, s24, s8, $0xb8;
	[tilespmem:$0x2190] =	vst v63  }
0x30: {  	s26 =	simm.s32 $0x1000;
	s28 =	simm.s32 $0x2  }
0x31: {  	[tilespmem:s26], [sflag:$0x2] =	stream.linear.gather [hbm4b:s7+s9], $0x800, $0x38;
	[tilespmem:$0x2190] =	vst v63  }
0x32: {  	_ =	swait.ge [sflag:s28], $0x800  }
0x33: {  	[sflag:s28] =	ssyncset.done $0x0  }
0x34: {  	s5 =	sadd.s32 s6, s5;
	s29 =	simm.s32 $0x1800;
	[sflag:s28] =	ssyncadd.s32 $0xFFFFF800  }
0x35: {  	[tilespmem:s29], [sflag:$0x2] =	stream.linear.gather [hbm4b:s5+s9], $0x800, $0x38;
	[tilespmem:$0x2190] =	vst v63  }
0x36: {  	_ =	swait.ge [sflag:s28], $0x800  }
0x37: {  	[sflag:s28] =	ssyncset.done $0x0  }
0x38: {  	s30 =	simm.s32 $0x1;
	[sflag:s28] =	ssyncadd.s32 $0xFFFFF800  }
0x39: {  	_ =	swait.ge [sflag:s30], $0x80  }
0x3a: {  	[sflag:s30] =	ssyncset.done $0x0  }
0x3b: {  	[sflag:s30] =	ssyncadd.s32 $0xFFFFFF80  }
0x3c: {  	_ =	swait.ge [sflag:s30], $0x80  }
0x3d: {  	[sflag:s30] =	ssyncset.done $0x0  }
0x3e: {  	[sflag:s30] =	ssyncadd.s32 $0xFFFFFF80  }
0x3f: {  	_ =	swait.ge [sflag:s30], $0x80  }
0x40: {  	[sflag:s30] =	ssyncset.done $0x0  }
0x41: {  	[sflag:s30] =	ssyncadd.s32 $0xFFFFFF80  }
0x42: {  	_ =	swait.ge [sflag:s30], $0x80  }
0x43: {  	[sflag:s30] =	ssyncset.done $0x0  }
0x44: {  	[sflag:s30] =	ssyncadd.s32 $0xFFFFFF80  }
0x45: {  	_ =	swait.ge [sflag:s30], $0x80  }
0x46: {  	[sflag:s30] =	ssyncset.done $0x0  }
0x47: {  	[sflag:s30] =	ssyncadd.s32 $0xFFFFFF80  }
0x48: {  	_ =	swait.ge [sflag:s30], $0x80  }
0x49: {  	[sflag:s30] =	ssyncset.done $0x0  }
0x4a: {  	[sflag:s30] =	ssyncadd.s32 $0xFFFFFF80  }
0x4b: {  	_ =	swait.ge [sflag:s30], $0x80  }
0x4c: {  	[sflag:s30] =	ssyncset.done $0x0  }
0x4d: {  	[sflag:s30] =	ssyncadd.s32 $0xFFFFFF80  }
0x4e: {  	_ =	swait.ge [sflag:s30], $0x80  }
0x4f: {  	[sflag:s30] =	ssyncset.done $0x0  }
0x50: {  	[sflag:s30] =	ssyncadd.s32 $0xFFFFFF80  }
0x51: {  	_ =	swait.ge [sflag:s30], $0x80  }
0x52: {  	[sflag:s30] =	ssyncset.done $0x0  }
0x53: {  	[sflag:s30] =	ssyncadd.s32 $0xFFFFFF80  }
0x54: {  	_ =	swait.ge [sflag:s30], $0x80  }
0x55: {  	[sflag:s30] =	ssyncset.done $0x0  }
0x56: {  	[sflag:s30] =	ssyncadd.s32 $0xFFFFFF80  }
0x57: {  	_ =	swait.ge [sflag:s30], $0x80  }
0x58: {  	[sflag:s30] =	ssyncset.done $0x0  }
0x59: {  	[sflag:s30] =	ssyncadd.s32 $0xFFFFFF80  }
0x5a: {  	_ =	swait.ge [sflag:s30], $0x80  }
0x5b: {  	[sflag:s30] =	ssyncset.done $0x0  }
0x5c: {  	[sflag:s30] =	ssyncadd.s32 $0xFFFFFF80  }
0x5d: {  	_ =	swait.ge [sflag:s30], $0x80  }
0x5e: {  	[sflag:s30] =	ssyncset.done $0x0  }
0x5f: {  	[sflag:s30] =	ssyncadd.s32 $0xFFFFFF80  }
0x60: {  	_ =	swait.ge [sflag:s30], $0x80  }
0x61: {  	[sflag:s30] =	ssyncset.done $0x0  }
0x62: {  	[sflag:s30] =	ssyncadd.s32 $0xFFFFFF80  }
0x63: {  	_ =	swait.ge [sflag:s30], $0x80  }
0x64: {  	[sflag:s30] =	ssyncset.done $0x0  }
0x65: {  	[sflag:s30] =	ssyncadd.s32 $0xFFFFFF80  }
0x66: {  	_ =	swait.ge [sflag:s30], $0x80  }
0x67: {  	[sflag:s30] =	ssyncset.done $0x0  }
0x68: {  	s31 =	simm.s32 $0x0;
	[sflag:s30] =	ssyncadd.s32 $0xFFFFFF80  }
0x69: {  	v5 =	vld [tilespmem:s31+$0x800]  }
0x6a: {  	v3 =	vld [tilespmem:s31+$0x1800]  }
0x6b: {  	v4 =	vld [tilespmem:s31+$0x1000];
	_ =	sdelay $0x1  }
0x6c: {  	v0 =	vimm.f32 $0.0e+00;
	v2 =	vimm.f32 $0.0e+00;
	v1 =	vimm.f32 $0.0e+00;
	s4 =	simm.s32 $0x40  }
.LBB2_3:
0x6d: {  	s5 =	sshra.s32 s4, $0x2;
	p0 =	sne.s32 s4, $0x1FC0;
	s4 =	sadd.s32 $0x40, s4;
	v6 =	vsub.f32 $1.000000000e+00, v5  }
.Ltmp1:
0x6e: {  	v5 =	vld [tilespmem:s5+$0x800];
	vm0 =	vlt.f32 v3, $0.0e+00;
	vm1 =	vgt.f32 v3, $0.0e+00;
	(pc) =	sbr.rel @p0 .LBB2_3-.Ltmp1, $4  }
0x6f: {  	v3 =	vld [tilespmem:s5+$0x1800];
	vm2 =	vgt.f32 v6, $-6.931471820e-01;
	vm0 =	vmor vm1, vm0;
	v2 =	vadd.f32 v4, v2  }
0x70: {  	v4 =	vld [tilespmem:s5+$0x1000];
	vm0 =	vmand vm0, vm2  }
0x71: {  	v6 =	vsel vm0, $0x3F800000, v0  }
0x72: {  	v1 =	vadd.f32 v6, v1  }
0x73: {  	v5 =	vsub.f32 $1.000000000e+00, v5  }
0x74: {  	vm0 =	vlt.f32 v3, $0.0e+00;
	vm1 =	vgt.f32 v3, $0.0e+00  }
0x75: {  	vm2 =	vgt.f32 v5, $-6.931471820e-01;
	vm0 =	vmor vm1, vm0  }
0x76: {  	v2 =	vadd.f32 v4, v2;
	vm0 =	vmand vm0, vm2  }
0x77: {  	v0 =	vsel vm0, $0x3F800000, v0  }
0x78: {  	(xrf2) =	vadd.scan.msk.f32 $0xffff, v2;
	v0 =	vadd.f32 v0, v1;
	_ =	sdelay $0x1  }
0x79: {  	(xrf2) =	vadd.scan.msk.f32 $0xffff, v0;
	_ =	sdelay $0x7  }
0x7a: {  	v60, _, _ =	vpop (xrf2)  }
0x7b: {  	(v2sf) =	vpush v60, $0xF  }
0x7c: {  	v61, _, _ =	vpop (xrf2)  }
0x7d: {  	(v2sf) =	vpush v61, $0xF;
	_ =	sdelay $0xc  }
0x7e: {  	s4 =	spop (v2sf)  }
0x7f: {  	s4 =	sadd.f32 $-1.000000000e+00, s4  }
0x80: {  	s5 =	spop (v2sf)  }
0x81: {  	s4 =	sand.u32 $0x7FFFFFFF, s4;
	p0 =	sgt.f32 s5, $5.000000000e-01  }
0x82: {  	s4 =	smul.f32 s4, s5;
	s5 =	simm.f32 $1.000000000e+00  }
0x83: {  	vm14 =	vcmask $0x300;
	s5 =	simm.s32 @!p0 $0x0  }
0x84: {  	vm15 =	vcmask $0x704;
	v62 =	vmov s4;
	v63 =	vmov s5  }
0x85: {  	v0 =	vnsel vm14, $0x0, v62;
	v1 =	vnsel vm15, $0x0, v63  }
0x86: {  	v0 =	vadd.f32 v1, v0  }
0x87: {  	s31 =	sshll.u32 s3, $0x4  }
0x88: {  	s4 =	sadd.s32 s31, s2;
	s5 =	simm.s32 $0x2000;
	[tilespmem:$0x2000] =	vst v0  }
0x89: {  	[spmem:s4] =	stream.linear.scatter [tilespmem:s5], [sflag:$0x2], $0x10, $0x38;
	[tilespmem:$0x2190] =	vst v63  }
0x8a: {  	s4 =	simm.s32 $0x2  }
0x8b: {  	_ =	swait.ge [sflag:s4], $0x10  }
0x8c: {  	[sflag:s4] =	ssyncset.done $0x0  }
0x8d: {  	[sflag:s4] =	ssyncadd.s32 $0xFFFFFFF0  }
0x8e: {  	p0 =	sne.s32 s3, $0x0;
	[bflag:$0x0] =	sbarrier.arrive $0xFFFF  }
0x8f: {  	_ =	sfence.sel @p0 $0x180000  }
0x90: {  	[bflag:$0x0] =	sbarrier.arrive @p0 $0xFFFF  }
0x91: {  	_ =	strace @p0 $0x90000047  }
0x92: {  	[bflag:$0x2] =	sbarrier.arrive @p0 $0xFFFF  }
0x93: {  	_ =	shalt @p0  }
.LBB2_5:
0x94: {  	s3 =	simm.s32 $0x2080  }
0x95: {  	[tilespmem:s3], [sflag:$0x2] =	stream.linear.gather [spmem:s2], $0x100, $0x38;
	[tilespmem:$0x2190] =	vst v63  }
0x96: {  	_ =	swait.ge [sflag:s4], $0x100  }
0x97: {  	[sflag:s4] =	ssyncset.done $0x0  }
0x98: {  	[sflag:s4] =	ssyncadd.s32 $0xFFFFFF00  }
0x99: {  	v0 =	vld [tilespmem:$0x2080];
	_ =	sdelay $0x1  }
0x9a: {  	v1 =	vld [tilespmem:$0x2090];
	_ =	sdelay $0x1  }
0x9b: {  	v2 =	vld [tilespmem:$0x20A0]  }
0x9c: {  	v0 =	vadd.f32 $0.0e+00, v0  }
0x9d: {  	v3 =	vld [tilespmem:$0x20B0]  }
0x9e: {  	v0 =	vadd.f32 v1, v0  }
0x9f: {  	v48 =	vld [tilespmem:$0x20C0]  }
0xa0: {  	v0 =	vadd.f32 v2, v0  }
0xa1: {  	v49 =	vld [tilespmem:$0x20D0]  }
0xa2: {  	v0 =	vadd.f32 v3, v0  }
0xa3: {  	v50 =	vld [tilespmem:$0x20E0]  }
0xa4: {  	v0 =	vadd.f32 v48, v0  }
0xa5: {  	v51 =	vld [tilespmem:$0x20F0]  }
0xa6: {  	v0 =	vadd.f32 v49, v0  }
0xa7: {  	v52 =	vld [tilespmem:$0x2100]  }
0xa8: {  	v0 =	vadd.f32 v50, v0  }
0xa9: {  	v53 =	vld [tilespmem:$0x2110]  }
0xaa: {  	v0 =	vadd.f32 v51, v0  }
0xab: {  	v54 =	vld [tilespmem:$0x2120]  }
0xac: {  	v0 =	vadd.f32 v52, v0  }
0xad: {  	v55 =	vld [tilespmem:$0x2130]  }
0xae: {  	v0 =	vadd.f32 v53, v0  }
0xaf: {  	v56 =	vld [tilespmem:$0x2140]  }
0xb0: {  	v0 =	vadd.f32 v54, v0  }
0xb1: {  	v57 =	vld [tilespmem:$0x2150]  }
0xb2: {  	v0 =	vadd.f32 v55, v0  }
0xb3: {  	v58 =	vld [tilespmem:$0x2160]  }
0xb4: {  	v0 =	vadd.f32 v56, v0  }
0xb5: {  	v59 =	vld [tilespmem:$0x2170]  }
0xb6: {  	v0 =	vadd.f32 v57, v0;
	_ =	sdelay $0x1  }
0xb7: {  	v0 =	vadd.f32 v58, v0;
	_ =	sdelay $0x1  }
0xb8: {  	v0 =	vadd.f32 v59, v0  }
0xb9: {  	vm0 =	vmmov $0x1  }
0xba: {  	vm14 =	vcmask $0x308;
	v60 =	vnsel vm0, $0x0, v0  }
0xbb: {  	v0 =	vsel vm14, $0x0, v0;
	(xrf2) =	vadd.scan.msk.f32 $0xffff, v60  }
0xbc: {  	(xrf2) =	vadd.scan.msk.f32 $0xffff, v0;
	_ =	sdelay $0x8  }
0xbd: {  	v61, _, _ =	vpop (xrf2)  }
0xbe: {  	v62, _, _ =	vpop (xrf2)  }
0xbf: {  	v1 =	vadd.f32 $0.0e+00, v62;
	_ =	sdelay $0x1  }
0xc0: {  	v1 =	vbroadcast v1, $0xF;
	_ =	sdelay $0x1  }
0xc1: {  	(erf) = vrcp.f32 v1;
	_ =	sdelay $0x5  }
0xc2: {  	v0 =	vadd.f32 $0.0e+00, v61;
	_ =	sdelay $0x1  }
0xc3: {  	v0 =	vbroadcast v0, $0xF  }
0xc4: {  	v63 =	vpop (erf)  }
0xc5: {  	v0 =	vmul.f32 v63, v0  }
0xc6: {  	vm15 =	vgt.f32 v1, $0.0e+00  }
0xc7: {  	v0 =	vnsel vm15, $0x0, v0  }
0xc8: {  	s31 =	simm.s32 $0x0;
	[tilespmem:$0x2000] =	vst v0  }
0xc9: {  	[hbm4b:s1+s31] =	stream.linear.scatter [tilespmem:s5], [sflag:$0x2], $0x80, $0x38;
	[tilespmem:$0x2190] =	vst v63  }
0xca: {  	_ =	swait.ge [sflag:s4], $0x80  }
0xcb: {  	[sflag:s4] =	ssyncset.done $0x0  }
0xcc: {  	[sflag:s4] =	ssyncadd.s32 $0xFFFFFF80  }
0xcd: {  	_ =	sfence.sel $0x180000  }
0xce: {  	[bflag:$0x0] =	sbarrier.arrive $0xFFFF  }
0xcf: {  	_ =	strace $0x90000047  }
0xd0: {  	s0 =	sadd.s32 $0x100000, s0;
	[bflag:$0x2] =	sbarrier.arrive $0xFFFF  }
0xd1: {  	[sflag:s0] =	ssyncadd.tile.s32 $0x1;
	_ =	shalt  }
.Lfunc_end2:
_tile_overlayer_lowered:
.L_overlay_start_2:
0xd2: {  	(tag) =	ssettag $0x2  }
0xd3: {  	s0 =	rddreg [dreg:$0x0];
	s2 =	stileid.u32  }
0xd4: {  	s1 =	rddreg [dreg:$0x1];
	p0 =	sne.s32 s2, $0x0  }
0xd5: {  	s3 =	rddreg [dreg:$0x2];
	[bflag:$0x3] =	sbarrier.arrive $0xFFFF;
	s2 =	simm.s32 @!p0 $0x1C02  }
0xd6: {  	[timem:s3], [sflag:s2] =	dma.local @!p0 [hbm:s0], s1  }
0xd7: {  	s0 =	simm.s32 @!p0 $0x2  }
0xd8: {  	_ =	swait.ge @!p0 [sflag:s0], s1  }
0xd9: {  	s1 =	ssub.s32 @!p0 $0x0, s1;
	[sflag:s0] =	ssyncset.done @!p0 $0x0  }
0xda: {  	[sflag:s0] =	ssyncadd.s32 @!p0 s1  }
0xdb: {  	[bflag:$0x3] =	sbarrier.arrive $0xFFFF  }
0xdc: {  	_ =	shalt  }

</sc_bundles>
